<compile_context>
chip_gen: v7x
topology: tpu7x:2x2x1
jax: 0.10.2.dev20260603
libtpu: 0.0.44.dev20260713+nightly
codegen_flags: <defaults>
</compile_context>

<pallas_src>
import jax
import jax.numpy as jnp
from jax import lax
from jax.experimental import pallas as pl
from jax.experimental.pallas import tpu as pltpu
from jax.experimental.pallas import tpu_sc as plsc

_B = 16
_TIME = 2048
_NWIN = 1948
_WPT = 976
_CH_LEN = 1088
_S10_GROUPS = 67
_WIN_GROUPS = 61

_BINS = (
    ((0,), 5.0),
    ((10, 20), 10.0),
    ((30, 40, 50), 15.0),
    ((60, 70, 80, 90), 20.0),
)


def _body(va_hbm, out_hbm, va_v, ch0, ch1, s0, s1, outv):
    b = lax.axis_index("s")
    h = lax.axis_index("c")
    w0 = h * _WPT
    lane = lax.broadcasted_iota(jnp.int32, (16,), 0)

    pltpu.sync_copy(va_hbm.at[pl.ds(b * (_TIME * 2), _TIME * 2)], va_v)

    for c, ch in ((0, ch0), (1, ch1)):

        @plsc.parallel_loop(0, _CH_LEN // 16, unroll=2)
        def _(g, ch=ch, c=c):
            rows = jnp.minimum(w0 + g * 16 + 1 + lane, _TIME - 1)
            ch[pl.ds(g * 16, 16)] = plsc.load_gather(va_v, [rows * 2 + c])

    for ch, s in ((ch0, s0), (ch1, s1)):

        @plsc.parallel_loop(0, _S10_GROUPS, unroll=2)
        def _(g, ch=ch, s=s):
            base = g * 16
            acc = ch[pl.ds(base, 16)]
            for t in range(1, 10):
                acc = acc + ch[pl.ds(base + t, 16)]
            s[pl.ds(base, 16)] = acc

    one = jnp.full((16,), 1, jnp.int32)
    zero = jnp.full((16,), 0, jnp.int32)

    @plsc.parallel_loop(0, _WIN_GROUPS, unroll=2)
    def _(g):
        base = g * 16
        code = zero
        for c, s in ((0, s0), (1, s1)):
            for k, (offs, thr) in enumerate(_BINS):
                acc = s[pl.ds(base + offs[0], 16)]
                for o in offs[1:]:
                    acc = acc + s[pl.ds(base + o, 16)]
                bit = jnp.where(acc >= thr, one, zero)
                code = code + bit * (1 << (c * 4 + k))
        outv[pl.ds(base, 16)] = code

    pltpu.sync_copy(outv, out_hbm.at[pl.ds(b * _TIME + w0, _WPT)])


def kernel(va, emb_weight):
    del emb_weight
    mesh = plsc.VectorSubcoreMesh(
        core_axis_name="c", subcore_axis_name="s", num_cores=2, num_subcores=16
    )
    padded = pl.kernel(
        _body,
        out_type=jax.ShapeDtypeStruct((_B * _TIME,), jnp.int32),
        mesh=mesh,
        compiler_params=pltpu.CompilerParams(needs_layout_passes=False),
        scratch_types=[
            pltpu.VMEM((_TIME * 2,), jnp.float32),
            pltpu.VMEM((_CH_LEN,), jnp.float32),
            pltpu.VMEM((_CH_LEN,), jnp.float32),
            pltpu.VMEM((_CH_LEN,), jnp.float32),
            pltpu.VMEM((_CH_LEN,), jnp.float32),
            pltpu.VMEM((_WPT,), jnp.int32),
        ],
    )(va.reshape(-1))
    return padded.reshape(_B, _TIME)[:, :_NWIN]

# --- scband reference (transcript-rebuilt; emitter-appended) ---
"""Pipeline reference for scband-objective-vap-22840636080446 (READ-ONLY COPY).

The authoritative reference and input builder live on the scoring server;
editing this copy changes nothing except your own understanding.
"""

import jax, jax.numpy as jnp
import numpy as np

BIN_FRAMES = [10, 20, 30, 40]
HORIZON = sum(BIN_FRAMES)  # 100
THRESH = 0.5
N_BINS_TOTAL = 2 * len(BIN_FRAMES)  # 8
N_CLASSES = 2 ** N_BINS_TOTAL  # 256


def _make_codebook():
    # single_idx_to_onehot: z[i] = (idx >> i) & 1
    bits = ((np.arange(N_CLASSES)[:, None] >> np.arange(N_BINS_TOTAL)[None, :]) & 1).astype(np.float32)
    return jnp.asarray(bits)  # (256, 8)


def setup_inputs(seed: int = 0) -> dict:
    key = jax.random.key(seed)
    va = jax.random.uniform(key, (16, 2048, 2), dtype=jnp.float32)
    return {"va": va, "emb_weight": _make_codebook()}


def reference(va, emb_weight):
    # ProjectionWindow.projection: va[..., 1:, :].unfold(-2, horizon, 1)
    v = va[:, 1:, :]  # (B, T-1, 2)
    B, T, C = v.shape
    n_win = T - HORIZON + 1
    widx = jnp.arange(n_win)[:, None] + jnp.arange(HORIZON)[None, :]  # (n_win, horizon)
    windows = v[:, widx, :]  # (B, n_win, horizon, C)
    windows = jnp.transpose(windows, (0, 1, 3, 2))  # (B, n_win, C, horizon)
    # projection_bins
    start = 0
    v_bins = []
    for bf in BIN_FRAMES:
        end = start + bf
        m = windows[..., start:end].sum(axis=-1) / bf
        v_bins.append((m >= THRESH).astype(jnp.float32))
        start = end
    pw = jnp.stack(v_bins, axis=-1)  # (B, n_win, 2, 4)
    # Codebook.encode: flatten (c bpp) -> 8, nearest (max of negative sq-dist)
    flat = pw.reshape(-1, N_BINS_TOTAL)  # (B*n_win, 8)
    embed = emb_weight.T  # (8, 256)
    dist = -(jnp.sum(flat ** 2, axis=1, keepdims=True) - 2.0 * (flat @ embed) + jnp.sum(embed ** 2, axis=0, keepdims=True))
    idx = jnp.argmax(dist, axis=-1).reshape(B, n_win)
    return idx

if __name__ == "__main__":
    import jax
    _d = setup_inputs()
    print(jax.jit(kernel)(*tuple(_d.values())))

</pallas_src>

<mosaic_0001>
#map = affine_map<(d0, d1) -> (0)>
module attributes {stable_mosaic.version = 14 : i64} {
  func.func @_body(%arg0: i32, %arg1: i32, %arg2: memref<65536xf32, #tpu.memory_space<hbm>>, %arg3: memref<32768xi32, #tpu.memory_space<hbm>>, %arg4: memref<4096xf32, #tpu.memory_space<vmem>>, %arg5: memref<1088xf32, #tpu.memory_space<vmem>>, %arg6: memref<1088xf32, #tpu.memory_space<vmem>>, %arg7: memref<1088xf32, #tpu.memory_space<vmem>>, %arg8: memref<1088xf32, #tpu.memory_space<vmem>>, %arg9: memref<976xi32, #tpu.memory_space<vmem>>) attributes {dimension_semantics = [#tpu.dimension_semantics<core_parallel>, #tpu.dimension_semantics<subcore_parallel>], iteration_bounds = array<i64: 2, 16>, scalar_prefetch = 0 : i64, scratch_operands = 6 : i64, tpu.core_type = #tpu.core_type<sc_vector_subcore>, window_params = [{transform_indices = #map}, {transform_indices = #map}]} {
    %mul3A = arith.constant 976 : i32
    %mul3A_0 = arith.muli %arg0, %mul3A : i32
    %iota3A = tpu.iota {dimensions = array<i32: 0>} : vector<16xi32>
    %mul3A_1 = arith.constant 4096 : i32
    %mul3A_2 = arith.muli %arg1, %mul3A_1 : i32
    "tpu.region"() ({
      %run_scoped3A = tpu.sem_alloc : memref<!tpu.dma_semaphore, #tpu.memory_space<semaphore_mem>>
      %dma_start3A = tpu.memref_slice %arg2[%mul3A_2] : memref<65536xf32, #tpu.memory_space<hbm>> -> memref<4096xf32, #tpu.memory_space<hbm>>
      %dma_start3A_22 = tpu.memref_slice %arg2[%mul3A_2] : memref<65536xf32, #tpu.memory_space<hbm>> -> memref<4096xf32, #tpu.memory_space<hbm>>
      tpu.enqueue_dma source(%dma_start3A_22 : memref<4096xf32, #tpu.memory_space<hbm>>) target(%arg4 : memref<4096xf32, #tpu.memory_space<vmem>>) target_semaphore(%run_scoped3A : memref<!tpu.dma_semaphore, #tpu.memory_space<semaphore_mem>>)
      %dma_wait3A = tpu.memref_slice %arg2[%mul3A_2] : memref<65536xf32, #tpu.memory_space<hbm>> -> memref<4096xf32, #tpu.memory_space<hbm>>
      %dma_wait3A_23 = tpu.memref_slice %arg2[%mul3A_2] : memref<65536xf32, #tpu.memory_space<hbm>> -> memref<4096xf32, #tpu.memory_space<hbm>>
      tpu.wait_dma2 semaphore(%run_scoped3A : memref<!tpu.dma_semaphore, #tpu.memory_space<semaphore_mem>>) src(%dma_wait3A_23 : memref<4096xf32, #tpu.memory_space<hbm>>) dst(%arg4 : memref<4096xf32, #tpu.memory_space<vmem>>)
      tpu.yield
    }) : () -> ()
    %parallel_loop3A = arith.constant 0 : i32
    %parallel_loop3A_3 = arith.constant 68 : i32
    %parallel_loop3A_4 = arith.constant 1 : i32
    scf.for %parallel_loop3A_22 = %parallel_loop3A to %parallel_loop3A_3 step %parallel_loop3A_4  : i32 {
      %parallel_loop3A_23 = arith.constant 16 : i32
      %parallel_loop3A_24 = arith.muli %parallel_loop3A_22, %parallel_loop3A_23 : i32
      %parallel_loop3A_25 = arith.addi %mul3A_0, %parallel_loop3A_24 : i32
      %parallel_loop3A_26 = arith.constant 1 : i32
      %parallel_loop3A_27 = arith.addi %parallel_loop3A_25, %parallel_loop3A_26 : i32
      %parallel_loop3A_28 = vector.broadcast %parallel_loop3A_27 : i32 to vector<16xi32>
      %parallel_loop3A_29 = arith.addi %parallel_loop3A_28, %iota3A : vector<16xi32>
      %parallel_loop3A_30 = arith.constant 2047 : i32
      %parallel_loop3A_31 = vector.broadcast %parallel_loop3A_30 : i32 to vector<16xi32>
      %parallel_loop3A_32 = arith.minsi %parallel_loop3A_29, %parallel_loop3A_31 : vector<16xi32>
      %parallel_loop3A_33 = arith.constant 2 : i32
      %parallel_loop3A_34 = vector.broadcast %parallel_loop3A_33 : i32 to vector<16xi32>
      %parallel_loop3A_35 = arith.muli %parallel_loop3A_32, %parallel_loop3A_34 : vector<16xi32>
      %parallel_loop3A_36 = arith.constant 0 : i32
      %parallel_loop3A_37 = vector.broadcast %parallel_loop3A_36 : i32 to vector<16xi32>
      %parallel_loop3A_38 = arith.addi %parallel_loop3A_35, %parallel_loop3A_37 : vector<16xi32>
      %parallel_loop3A_39 = tpu.vector_load_idx %arg4[%parallel_loop3A_38] : memref<4096xf32, #tpu.memory_space<vmem>>[vector<16xi32>], vector<16xf32>,
      %parallel_loop3A_40 = arith.constant 16 : i32
      %parallel_loop3A_41 = arith.muli %parallel_loop3A_22, %parallel_loop3A_40 : i32
      %parallel_loop3A_42 = arith.index_cast %parallel_loop3A_41 : i32 to index
      %parallel_loop3A_43 = tpu.vector_load %arg5[%parallel_loop3A_42] {strides = array<i32>} : memref<1088xf32, #tpu.memory_space<vmem>>, vector<16xf32>,
      tpu.vector_store %arg5[%parallel_loop3A_42], %parallel_loop3A_39 {strides = array<i32>} : memref<1088xf32, #tpu.memory_space<vmem>>, vector<16xf32>,
    } {sc.loop_unroll_factor = 2 : i64, sc.parallel_access}
    %parallel_loop3A_5 = arith.constant 0 : i32
    %parallel_loop3A_6 = arith.constant 68 : i32
    %parallel_loop3A_7 = arith.constant 1 : i32
    scf.for %parallel_loop3A_22 = %parallel_loop3A_5 to %parallel_loop3A_6 step %parallel_loop3A_7  : i32 {
      %parallel_loop3A_23 = arith.constant 16 : i32
      %parallel_loop3A_24 = arith.muli %parallel_loop3A_22, %parallel_loop3A_23 : i32
      %parallel_loop3A_25 = arith.addi %mul3A_0, %parallel_loop3A_24 : i32
      %parallel_loop3A_26 = arith.constant 1 : i32
      %parallel_loop3A_27 = arith.addi %parallel_loop3A_25, %parallel_loop3A_26 : i32
      %parallel_loop3A_28 = vector.broadcast %parallel_loop3A_27 : i32 to vector<16xi32>
      %parallel_loop3A_29 = arith.addi %parallel_loop3A_28, %iota3A : vector<16xi32>
      %parallel_loop3A_30 = arith.constant 2047 : i32
      %parallel_loop3A_31 = vector.broadcast %parallel_loop3A_30 : i32 to vector<16xi32>
      %parallel_loop3A_32 = arith.minsi %parallel_loop3A_29, %parallel_loop3A_31 : vector<16xi32>
      %parallel_loop3A_33 = arith.constant 2 : i32
      %parallel_loop3A_34 = vector.broadcast %parallel_loop3A_33 : i32 to vector<16xi32>
      %parallel_loop3A_35 = arith.muli %parallel_loop3A_32, %parallel_loop3A_34 : vector<16xi32>
      %parallel_loop3A_36 = arith.constant 1 : i32
      %parallel_loop3A_37 = vector.broadcast %parallel_loop3A_36 : i32 to vector<16xi32>
      %parallel_loop3A_38 = arith.addi %parallel_loop3A_35, %parallel_loop3A_37 : vector<16xi32>
      %parallel_loop3A_39 = tpu.vector_load_idx %arg4[%parallel_loop3A_38] : memref<4096xf32, #tpu.memory_space<vmem>>[vector<16xi32>], vector<16xf32>,
      %parallel_loop3A_40 = arith.constant 16 : i32
      %parallel_loop3A_41 = arith.muli %parallel_loop3A_22, %parallel_loop3A_40 : i32
      %parallel_loop3A_42 = arith.index_cast %parallel_loop3A_41 : i32 to index
      %parallel_loop3A_43 = tpu.vector_load %arg6[%parallel_loop3A_42] {strides = array<i32>} : memref<1088xf32, #tpu.memory_space<vmem>>, vector<16xf32>,
      tpu.vector_store %arg6[%parallel_loop3A_42], %parallel_loop3A_39 {strides = array<i32>} : memref<1088xf32, #tpu.memory_space<vmem>>, vector<16xf32>,
    } {sc.loop_unroll_factor = 2 : i64, sc.parallel_access}
    %parallel_loop3A_8 = arith.constant 0 : i32
    %parallel_loop3A_9 = arith.constant 67 : i32
    %parallel_loop3A_10 = arith.constant 1 : i32
    scf.for %parallel_loop3A_22 = %parallel_loop3A_8 to %parallel_loop3A_9 step %parallel_loop3A_10  : i32 {
      %parallel_loop3A_23 = arith.constant 16 : i32
      %parallel_loop3A_24 = arith.muli %parallel_loop3A_22, %parallel_loop3A_23 : i32
      %parallel_loop3A_25 = arith.index_cast %parallel_loop3A_24 : i32 to index
      %parallel_loop3A_26 = tpu.vector_load %arg5[%parallel_loop3A_25] {strides = array<i32>} : memref<1088xf32, #tpu.memory_space<vmem>>, vector<16xf32>,
      %parallel_loop3A_27 = arith.constant 1 : i32
      %parallel_loop3A_28 = arith.addi %parallel_loop3A_24, %parallel_loop3A_27 : i32
      %parallel_loop3A_29 = arith.index_cast %parallel_loop3A_28 : i32 to index
      %parallel_loop3A_30 = tpu.vector_load %arg5[%parallel_loop3A_29] {strides = array<i32>} : memref<1088xf32, #tpu.memory_space<vmem>>, vector<16xf32>,
      %parallel_loop3A_31 = arith.addf %parallel_loop3A_26, %parallel_loop3A_30 : vector<16xf32>
      %parallel_loop3A_32 = arith.constant 2 : i32
      %parallel_loop3A_33 = arith.addi %parallel_loop3A_24, %parallel_loop3A_32 : i32
      %parallel_loop3A_34 = arith.index_cast %parallel_loop3A_33 : i32 to index
      %parallel_loop3A_35 = tpu.vector_load %arg5[%parallel_loop3A_34] {strides = array<i32>} : memref<1088xf32, #tpu.memory_space<vmem>>, vector<16xf32>,
      %parallel_loop3A_36 = arith.addf %parallel_loop3A_31, %parallel_loop3A_35 : vector<16xf32>
      %parallel_loop3A_37 = arith.constant 3 : i32
      %parallel_loop3A_38 = arith.addi %parallel_loop3A_24, %parallel_loop3A_37 : i32
      %parallel_loop3A_39 = arith.index_cast %parallel_loop3A_38 : i32 to index
      %parallel_loop3A_40 = tpu.vector_load %arg5[%parallel_loop3A_39] {strides = array<i32>} : memref<1088xf32, #tpu.memory_space<vmem>>, vector<16xf32>,
      %parallel_loop3A_41 = arith.addf %parallel_loop3A_36, %parallel_loop3A_40 : vector<16xf32>
      %parallel_loop3A_42 = arith.constant 4 : i32
      %parallel_loop3A_43 = arith.addi %parallel_loop3A_24, %parallel_loop3A_42 : i32
      %parallel_loop3A_44 = arith.index_cast %parallel_loop3A_43 : i32 to index
      %parallel_loop3A_45 = tpu.vector_load %arg5[%parallel_loop3A_44] {strides = array<i32>} : memref<1088xf32, #tpu.memory_space<vmem>>, vector<16xf32>,
      %parallel_loop3A_46 = arith.addf %parallel_loop3A_41, %parallel_loop3A_45 : vector<16xf32>
      %parallel_loop3A_47 = arith.constant 5 : i32
      %parallel_loop3A_48 = arith.addi %parallel_loop3A_24, %parallel_loop3A_47 : i32
      %parallel_loop3A_49 = arith.index_cast %parallel_loop3A_48 : i32 to index
      %parallel_loop3A_50 = tpu.vector_load %arg5[%parallel_loop3A_49] {strides = array<i32>} : memref<1088xf32, #tpu.memory_space<vmem>>, vector<16xf32>,
      %parallel_loop3A_51 = arith.addf %parallel_loop3A_46, %parallel_loop3A_50 : vector<16xf32>
      %parallel_loop3A_52 = arith.constant 6 : i32
      %parallel_loop3A_53 = arith.addi %parallel_loop3A_24, %parallel_loop3A_52 : i32
      %parallel_loop3A_54 = arith.index_cast %parallel_loop3A_53 : i32 to index
      %parallel_loop3A_55 = tpu.vector_load %arg5[%parallel_loop3A_54] {strides = array<i32>} : memref<1088xf32, #tpu.memory_space<vmem>>, vector<16xf32>,
      %parallel_loop3A_56 = arith.addf %parallel_loop3A_51, %parallel_loop3A_55 : vector<16xf32>
      %parallel_loop3A_57 = arith.constant 7 : i32
      %parallel_loop3A_58 = arith.addi %parallel_loop3A_24, %parallel_loop3A_57 : i32
      %parallel_loop3A_59 = arith.index_cast %parallel_loop3A_58 : i32 to index
      %parallel_loop3A_60 = tpu.vector_load %arg5[%parallel_loop3A_59] {strides = array<i32>} : memref<1088xf32, #tpu.memory_space<vmem>>, vector<16xf32>,
      %parallel_loop3A_61 = arith.addf %parallel_loop3A_56, %parallel_loop3A_60 : vector<16xf32>
      %parallel_loop3A_62 = arith.constant 8 : i32
      %parallel_loop3A_63 = arith.addi %parallel_loop3A_24, %parallel_loop3A_62 : i32
      %parallel_loop3A_64 = arith.index_cast %parallel_loop3A_63 : i32 to index
      %parallel_loop3A_65 = tpu.vector_load %arg5[%parallel_loop3A_64] {strides = array<i32>} : memref<1088xf32, #tpu.memory_space<vmem>>, vector<16xf32>,
      %parallel_loop3A_66 = arith.addf %parallel_loop3A_61, %parallel_loop3A_65 : vector<16xf32>
      %parallel_loop3A_67 = arith.constant 9 : i32
      %parallel_loop3A_68 = arith.addi %parallel_loop3A_24, %parallel_loop3A_67 : i32
      %parallel_loop3A_69 = arith.index_cast %parallel_loop3A_68 : i32 to index
      %parallel_loop3A_70 = tpu.vector_load %arg5[%parallel_loop3A_69] {strides = array<i32>} : memref<1088xf32, #tpu.memory_space<vmem>>, vector<16xf32>,
      %parallel_loop3A_71 = arith.addf %parallel_loop3A_66, %parallel_loop3A_70 : vector<16xf32>
      %parallel_loop3A_72 = arith.index_cast %parallel_loop3A_24 : i32 to index
      %parallel_loop3A_73 = tpu.vector_load %arg7[%parallel_loop3A_72] {strides = array<i32>} : memref<1088xf32, #tpu.memory_space<vmem>>, vector<16xf32>,
      tpu.vector_store %arg7[%parallel_loop3A_72], %parallel_loop3A_71 {strides = array<i32>} : memref<1088xf32, #tpu.memory_space<vmem>>, vector<16xf32>,
    } {sc.loop_unroll_factor = 2 : i64, sc.parallel_access}
    %parallel_loop3A_11 = arith.constant 0 : i32
    %parallel_loop3A_12 = arith.constant 67 : i32
    %parallel_loop3A_13 = arith.constant 1 : i32
    scf.for %parallel_loop3A_22 = %parallel_loop3A_11 to %parallel_loop3A_12 step %parallel_loop3A_13  : i32 {
      %parallel_loop3A_23 = arith.constant 16 : i32
      %parallel_loop3A_24 = arith.muli %parallel_loop3A_22, %parallel_loop3A_23 : i32
      %parallel_loop3A_25 = arith.index_cast %parallel_loop3A_24 : i32 to index
      %parallel_loop3A_26 = tpu.vector_load %arg6[%parallel_loop3A_25] {strides = array<i32>} : memref<1088xf32, #tpu.memory_space<vmem>>, vector<16xf32>,
      %parallel_loop3A_27 = arith.constant 1 : i32
      %parallel_loop3A_28 = arith.addi %parallel_loop3A_24, %parallel_loop3A_27 : i32
      %parallel_loop3A_29 = arith.index_cast %parallel_loop3A_28 : i32 to index
      %parallel_loop3A_30 = tpu.vector_load %arg6[%parallel_loop3A_29] {strides = array<i32>} : memref<1088xf32, #tpu.memory_space<vmem>>, vector<16xf32>,
      %parallel_loop3A_31 = arith.addf %parallel_loop3A_26, %parallel_loop3A_30 : vector<16xf32>
      %parallel_loop3A_32 = arith.constant 2 : i32
      %parallel_loop3A_33 = arith.addi %parallel_loop3A_24, %parallel_loop3A_32 : i32
      %parallel_loop3A_34 = arith.index_cast %parallel_loop3A_33 : i32 to index
      %parallel_loop3A_35 = tpu.vector_load %arg6[%parallel_loop3A_34] {strides = array<i32>} : memref<1088xf32, #tpu.memory_space<vmem>>, vector<16xf32>,
      %parallel_loop3A_36 = arith.addf %parallel_loop3A_31, %parallel_loop3A_35 : vector<16xf32>
      %parallel_loop3A_37 = arith.constant 3 : i32
      %parallel_loop3A_38 = arith.addi %parallel_loop3A_24, %parallel_loop3A_37 : i32
      %parallel_loop3A_39 = arith.index_cast %parallel_loop3A_38 : i32 to index
      %parallel_loop3A_40 = tpu.vector_load %arg6[%parallel_loop3A_39] {strides = array<i32>} : memref<1088xf32, #tpu.memory_space<vmem>>, vector<16xf32>,
      %parallel_loop3A_41 = arith.addf %parallel_loop3A_36, %parallel_loop3A_40 : vector<16xf32>
      %parallel_loop3A_42 = arith.constant 4 : i32
      %parallel_loop3A_43 = arith.addi %parallel_loop3A_24, %parallel_loop3A_42 : i32
      %parallel_loop3A_44 = arith.index_cast %parallel_loop3A_43 : i32 to index
      %parallel_loop3A_45 = tpu.vector_load %arg6[%parallel_loop3A_44] {strides = array<i32>} : memref<1088xf32, #tpu.memory_space<vmem>>, vector<16xf32>,
      %parallel_loop3A_46 = arith.addf %parallel_loop3A_41, %parallel_loop3A_45 : vector<16xf32>
      %parallel_loop3A_47 = arith.constant 5 : i32
      %parallel_loop3A_48 = arith.addi %parallel_loop3A_24, %parallel_loop3A_47 : i32
      %parallel_loop3A_49 = arith.index_cast %parallel_loop3A_48 : i32 to index
      %parallel_loop3A_50 = tpu.vector_load %arg6[%parallel_loop3A_49] {strides = array<i32>} : memref<1088xf32, #tpu.memory_space<vmem>>, vector<16xf32>,
      %parallel_loop3A_51 = arith.addf %parallel_loop3A_46, %parallel_loop3A_50 : vector<16xf32>
      %parallel_loop3A_52 = arith.constant 6 : i32
      %parallel_loop3A_53 = arith.addi %parallel_loop3A_24, %parallel_loop3A_52 : i32
      %parallel_loop3A_54 = arith.index_cast %parallel_loop3A_53 : i32 to index
      %parallel_loop3A_55 = tpu.vector_load %arg6[%parallel_loop3A_54] {strides = array<i32>} : memref<1088xf32, #tpu.memory_space<vmem>>, vector<16xf32>,
      %parallel_loop3A_56 = arith.addf %parallel_loop3A_51, %parallel_loop3A_55 : vector<16xf32>
      %parallel_loop3A_57 = arith.constant 7 : i32
      %parallel_loop3A_58 = arith.addi %parallel_loop3A_24, %parallel_loop3A_57 : i32
      %parallel_loop3A_59 = arith.index_cast %parallel_loop3A_58 : i32 to index
      %parallel_loop3A_60 = tpu.vector_load %arg6[%parallel_loop3A_59] {strides = array<i32>} : memref<1088xf32, #tpu.memory_space<vmem>>, vector<16xf32>,
      %parallel_loop3A_61 = arith.addf %parallel_loop3A_56, %parallel_loop3A_60 : vector<16xf32>
      %parallel_loop3A_62 = arith.constant 8 : i32
      %parallel_loop3A_63 = arith.addi %parallel_loop3A_24, %parallel_loop3A_62 : i32
      %parallel_loop3A_64 = arith.index_cast %parallel_loop3A_63 : i32 to index
      %parallel_loop3A_65 = tpu.vector_load %arg6[%parallel_loop3A_64] {strides = array<i32>} : memref<1088xf32, #tpu.memory_space<vmem>>, vector<16xf32>,
      %parallel_loop3A_66 = arith.addf %parallel_loop3A_61, %parallel_loop3A_65 : vector<16xf32>
      %parallel_loop3A_67 = arith.constant 9 : i32
      %parallel_loop3A_68 = arith.addi %parallel_loop3A_24, %parallel_loop3A_67 : i32
      %parallel_loop3A_69 = arith.index_cast %parallel_loop3A_68 : i32 to index
      %parallel_loop3A_70 = tpu.vector_load %arg6[%parallel_loop3A_69] {strides = array<i32>} : memref<1088xf32, #tpu.memory_space<vmem>>, vector<16xf32>,
      %parallel_loop3A_71 = arith.addf %parallel_loop3A_66, %parallel_loop3A_70 : vector<16xf32>
      %parallel_loop3A_72 = arith.index_cast %parallel_loop3A_24 : i32 to index
      %parallel_loop3A_73 = tpu.vector_load %arg8[%parallel_loop3A_72] {strides = array<i32>} : memref<1088xf32, #tpu.memory_space<vmem>>, vector<16xf32>,
      tpu.vector_store %arg8[%parallel_loop3A_72], %parallel_loop3A_71 {strides = array<i32>} : memref<1088xf32, #tpu.memory_space<vmem>>, vector<16xf32>,
    } {sc.loop_unroll_factor = 2 : i64, sc.parallel_access}
    %broadcast_in_dim3A = arith.constant 1 : i32
    %broadcast_in_dim3A_14 = vector.broadcast %broadcast_in_dim3A : i32 to vector<16xi32>
    %broadcast_in_dim3A_15 = arith.constant 0 : i32
    %broadcast_in_dim3A_16 = vector.broadcast %broadcast_in_dim3A_15 : i32 to vector<16xi32>
    %parallel_loop3A_17 = arith.constant 0 : i32
    %parallel_loop3A_18 = arith.constant 61 : i32
    %parallel_loop3A_19 = arith.constant 1 : i32
    scf.for %parallel_loop3A_22 = %parallel_loop3A_17 to %parallel_loop3A_18 step %parallel_loop3A_19  : i32 {
      %parallel_loop3A_23 = arith.constant 16 : i32
      %parallel_loop3A_24 = arith.muli %parallel_loop3A_22, %parallel_loop3A_23 : i32
      %parallel_loop3A_25 = arith.constant 0 : i32
      %parallel_loop3A_26 = arith.addi %parallel_loop3A_24, %parallel_loop3A_25 : i32
      %parallel_loop3A_27 = arith.index_cast %parallel_loop3A_26 : i32 to index
      %parallel_loop3A_28 = tpu.vector_load %arg7[%parallel_loop3A_27] {strides = array<i32>} : memref<1088xf32, #tpu.memory_space<vmem>>, vector<16xf32>,
      %parallel_loop3A_29 = arith.constant 5.000000e+00 : f32
      %parallel_loop3A_30 = vector.broadcast %parallel_loop3A_29 : f32 to vector<16xf32>
      %parallel_loop3A_31 = arith.cmpf oge, %parallel_loop3A_28, %parallel_loop3A_30 : vector<16xf32>
      %parallel_loop3A_32 = arith.select %parallel_loop3A_31, %broadcast_in_dim3A_14, %broadcast_in_dim3A_16 : vector<16xi1>, vector<16xi32>
      %parallel_loop3A_33 = arith.constant 1 : i32
      %parallel_loop3A_34 = vector.broadcast %parallel_loop3A_33 : i32 to vector<16xi32>
      %parallel_loop3A_35 = arith.muli %parallel_loop3A_32, %parallel_loop3A_34 : vector<16xi32>
      %parallel_loop3A_36 = arith.addi %broadcast_in_dim3A_16, %parallel_loop3A_35 : vector<16xi32>
      %parallel_loop3A_37 = arith.constant 10 : i32
      %parallel_loop3A_38 = arith.addi %parallel_loop3A_24, %parallel_loop3A_37 : i32
      %parallel_loop3A_39 = arith.index_cast %parallel_loop3A_38 : i32 to index
      %parallel_loop3A_40 = tpu.vector_load %arg7[%parallel_loop3A_39] {strides = array<i32>} : memref<1088xf32, #tpu.memory_space<vmem>>, vector<16xf32>,
      %parallel_loop3A_41 = arith.constant 20 : i32
      %parallel_loop3A_42 = arith.addi %parallel_loop3A_24, %parallel_loop3A_41 : i32
      %parallel_loop3A_43 = arith.index_cast %parallel_loop3A_42 : i32 to index
      %parallel_loop3A_44 = tpu.vector_load %arg7[%parallel_loop3A_43] {strides = array<i32>} : memref<1088xf32, #tpu.memory_space<vmem>>, vector<16xf32>,
      %parallel_loop3A_45 = arith.addf %parallel_loop3A_40, %parallel_loop3A_44 : vector<16xf32>
      %parallel_loop3A_46 = arith.constant 1.000000e+01 : f32
      %parallel_loop3A_47 = vector.broadcast %parallel_loop3A_46 : f32 to vector<16xf32>
      %parallel_loop3A_48 = arith.cmpf oge, %parallel_loop3A_45, %parallel_loop3A_47 : vector<16xf32>
      %parallel_loop3A_49 = arith.select %parallel_loop3A_48, %broadcast_in_dim3A_14, %broadcast_in_dim3A_16 : vector<16xi1>, vector<16xi32>
      %parallel_loop3A_50 = arith.constant 2 : i32
      %parallel_loop3A_51 = vector.broadcast %parallel_loop3A_50 : i32 to vector<16xi32>
      %parallel_loop3A_52 = arith.muli %parallel_loop3A_49, %parallel_loop3A_51 : vector<16xi32>
      %parallel_loop3A_53 = arith.addi %parallel_loop3A_36, %parallel_loop3A_52 : vector<16xi32>
      %parallel_loop3A_54 = arith.constant 30 : i32
      %parallel_loop3A_55 = arith.addi %parallel_loop3A_24, %parallel_loop3A_54 : i32
      %parallel_loop3A_56 = arith.index_cast %parallel_loop3A_55 : i32 to index
      %parallel_loop3A_57 = tpu.vector_load %arg7[%parallel_loop3A_56] {strides = array<i32>} : memref<1088xf32, #tpu.memory_space<vmem>>, vector<16xf32>,
      %parallel_loop3A_58 = arith.constant 40 : i32
      %parallel_loop3A_59 = arith.addi %parallel_loop3A_24, %parallel_loop3A_58 : i32
      %parallel_loop3A_60 = arith.index_cast %parallel_loop3A_59 : i32 to index
      %parallel_loop3A_61 = tpu.vector_load %arg7[%parallel_loop3A_60] {strides = array<i32>} : memref<1088xf32, #tpu.memory_space<vmem>>, vector<16xf32>,
      %parallel_loop3A_62 = arith.addf %parallel_loop3A_57, %parallel_loop3A_61 : vector<16xf32>
      %parallel_loop3A_63 = arith.constant 50 : i32
      %parallel_loop3A_64 = arith.addi %parallel_loop3A_24, %parallel_loop3A_63 : i32
      %parallel_loop3A_65 = arith.index_cast %parallel_loop3A_64 : i32 to index
      %parallel_loop3A_66 = tpu.vector_load %arg7[%parallel_loop3A_65] {strides = array<i32>} : memref<1088xf32, #tpu.memory_space<vmem>>, vector<16xf32>,
      %parallel_loop3A_67 = arith.addf %parallel_loop3A_62, %parallel_loop3A_66 : vector<16xf32>
      %parallel_loop3A_68 = arith.constant 1.500000e+01 : f32
      %parallel_loop3A_69 = vector.broadcast %parallel_loop3A_68 : f32 to vector<16xf32>
      %parallel_loop3A_70 = arith.cmpf oge, %parallel_loop3A_67, %parallel_loop3A_69 : vector<16xf32>
      %parallel_loop3A_71 = arith.select %parallel_loop3A_70, %broadcast_in_dim3A_14, %broadcast_in_dim3A_16 : vector<16xi1>, vector<16xi32>
      %parallel_loop3A_72 = arith.constant 4 : i32
      %parallel_loop3A_73 = vector.broadcast %parallel_loop3A_72 : i32 to vector<16xi32>
      %parallel_loop3A_74 = arith.muli %parallel_loop3A_71, %parallel_loop3A_73 : vector<16xi32>
      %parallel_loop3A_75 = arith.addi %parallel_loop3A_53, %parallel_loop3A_74 : vector<16xi32>
      %parallel_loop3A_76 = arith.constant 60 : i32
      %parallel_loop3A_77 = arith.addi %parallel_loop3A_24, %parallel_loop3A_76 : i32
      %parallel_loop3A_78 = arith.index_cast %parallel_loop3A_77 : i32 to index
      %parallel_loop3A_79 = tpu.vector_load %arg7[%parallel_loop3A_78] {strides = array<i32>} : memref<1088xf32, #tpu.memory_space<vmem>>, vector<16xf32>,
      %parallel_loop3A_80 = arith.constant 70 : i32
      %parallel_loop3A_81 = arith.addi %parallel_loop3A_24, %parallel_loop3A_80 : i32
      %parallel_loop3A_82 = arith.index_cast %parallel_loop3A_81 : i32 to index
      %parallel_loop3A_83 = tpu.vector_load %arg7[%parallel_loop3A_82] {strides = array<i32>} : memref<1088xf32, #tpu.memory_space<vmem>>, vector<16xf32>,
      %parallel_loop3A_84 = arith.addf %parallel_loop3A_79, %parallel_loop3A_83 : vector<16xf32>
      %parallel_loop3A_85 = arith.constant 80 : i32
      %parallel_loop3A_86 = arith.addi %parallel_loop3A_24, %parallel_loop3A_85 : i32
      %parallel_loop3A_87 = arith.index_cast %parallel_loop3A_86 : i32 to index
      %parallel_loop3A_88 = tpu.vector_load %arg7[%parallel_loop3A_87] {strides = array<i32>} : memref<1088xf32, #tpu.memory_space<vmem>>, vector<16xf32>,
      %parallel_loop3A_89 = arith.addf %parallel_loop3A_84, %parallel_loop3A_88 : vector<16xf32>
      %parallel_loop3A_90 = arith.constant 90 : i32
      %parallel_loop3A_91 = arith.addi %parallel_loop3A_24, %parallel_loop3A_90 : i32
      %parallel_loop3A_92 = arith.index_cast %parallel_loop3A_91 : i32 to index
      %parallel_loop3A_93 = tpu.vector_load %arg7[%parallel_loop3A_92] {strides = array<i32>} : memref<1088xf32, #tpu.memory_space<vmem>>, vector<16xf32>,
      %parallel_loop3A_94 = arith.addf %parallel_loop3A_89, %parallel_loop3A_93 : vector<16xf32>
      %parallel_loop3A_95 = arith.constant 2.000000e+01 : f32
      %parallel_loop3A_96 = vector.broadcast %parallel_loop3A_95 : f32 to vector<16xf32>
      %parallel_loop3A_97 = arith.cmpf oge, %parallel_loop3A_94, %parallel_loop3A_96 : vector<16xf32>
      %parallel_loop3A_98 = arith.select %parallel_loop3A_97, %broadcast_in_dim3A_14, %broadcast_in_dim3A_16 : vector<16xi1>, vector<16xi32>
      %parallel_loop3A_99 = arith.constant 8 : i32
      %parallel_loop3A_100 = vector.broadcast %parallel_loop3A_99 : i32 to vector<16xi32>
      %parallel_loop3A_101 = arith.muli %parallel_loop3A_98, %parallel_loop3A_100 : vector<16xi32>
      %parallel_loop3A_102 = arith.addi %parallel_loop3A_75, %parallel_loop3A_101 : vector<16xi32>
      %parallel_loop3A_103 = arith.constant 0 : i32
      %parallel_loop3A_104 = arith.addi %parallel_loop3A_24, %parallel_loop3A_103 : i32
      %parallel_loop3A_105 = arith.index_cast %parallel_loop3A_104 : i32 to index
      %parallel_loop3A_106 = tpu.vector_load %arg8[%parallel_loop3A_105] {strides = array<i32>} : memref<1088xf32, #tpu.memory_space<vmem>>, vector<16xf32>,
      %parallel_loop3A_107 = arith.constant 5.000000e+00 : f32
      %parallel_loop3A_108 = vector.broadcast %parallel_loop3A_107 : f32 to vector<16xf32>
      %parallel_loop3A_109 = arith.cmpf oge, %parallel_loop3A_106, %parallel_loop3A_108 : vector<16xf32>
      %parallel_loop3A_110 = arith.select %parallel_loop3A_109, %broadcast_in_dim3A_14, %broadcast_in_dim3A_16 : vector<16xi1>, vector<16xi32>
      %parallel_loop3A_111 = arith.constant 16 : i32
      %parallel_loop3A_112 = vector.broadcast %parallel_loop3A_111 : i32 to vector<16xi32>
      %parallel_loop3A_113 = arith.muli %parallel_loop3A_110, %parallel_loop3A_112 : vector<16xi32>
      %parallel_loop3A_114 = arith.addi %parallel_loop3A_102, %parallel_loop3A_113 : vector<16xi32>
      %parallel_loop3A_115 = arith.constant 10 : i32
      %parallel_loop3A_116 = arith.addi %parallel_loop3A_24, %parallel_loop3A_115 : i32
      %parallel_loop3A_117 = arith.index_cast %parallel_loop3A_116 : i32 to index
      %parallel_loop3A_118 = tpu.vector_load %arg8[%parallel_loop3A_117] {strides = array<i32>} : memref<1088xf32, #tpu.memory_space<vmem>>, vector<16xf32>,
      %parallel_loop3A_119 = arith.constant 20 : i32
      %parallel_loop3A_120 = arith.addi %parallel_loop3A_24, %parallel_loop3A_119 : i32
      %parallel_loop3A_121 = arith.index_cast %parallel_loop3A_120 : i32 to index
      %parallel_loop3A_122 = tpu.vector_load %arg8[%parallel_loop3A_121] {strides = array<i32>} : memref<1088xf32, #tpu.memory_space<vmem>>, vector<16xf32>,
      %parallel_loop3A_123 = arith.addf %parallel_loop3A_118, %parallel_loop3A_122 : vector<16xf32>
      %parallel_loop3A_124 = arith.constant 1.000000e+01 : f32
      %parallel_loop3A_125 = vector.broadcast %parallel_loop3A_124 : f32 to vector<16xf32>
      %parallel_loop3A_126 = arith.cmpf oge, %parallel_loop3A_123, %parallel_loop3A_125 : vector<16xf32>
      %parallel_loop3A_127 = arith.select %parallel_loop3A_126, %broadcast_in_dim3A_14, %broadcast_in_dim3A_16 : vector<16xi1>, vector<16xi32>
      %parallel_loop3A_128 = arith.constant 32 : i32
      %parallel_loop3A_129 = vector.broadcast %parallel_loop3A_128 : i32 to vector<16xi32>
      %parallel_loop3A_130 = arith.muli %parallel_loop3A_127, %parallel_loop3A_129 : vector<16xi32>
      %parallel_loop3A_131 = arith.addi %parallel_loop3A_114, %parallel_loop3A_130 : vector<16xi32>
      %parallel_loop3A_132 = arith.constant 30 : i32
      %parallel_loop3A_133 = arith.addi %parallel_loop3A_24, %parallel_loop3A_132 : i32
      %parallel_loop3A_134 = arith.index_cast %parallel_loop3A_133 : i32 to index
      %parallel_loop3A_135 = tpu.vector_load %arg8[%parallel_loop3A_134] {strides = array<i32>} : memref<1088xf32, #tpu.memory_space<vmem>>, vector<16xf32>,
      %parallel_loop3A_136 = arith.constant 40 : i32
      %parallel_loop3A_137 = arith.addi %parallel_loop3A_24, %parallel_loop3A_136 : i32
      %parallel_loop3A_138 = arith.index_cast %parallel_loop3A_137 : i32 to index
      %parallel_loop3A_139 = tpu.vector_load %arg8[%parallel_loop3A_138] {strides = array<i32>} : memref<1088xf32, #tpu.memory_space<vmem>>, vector<16xf32>,
      %parallel_loop3A_140 = arith.addf %parallel_loop3A_135, %parallel_loop3A_139 : vector<16xf32>
      %parallel_loop3A_141 = arith.constant 50 : i32
      %parallel_loop3A_142 = arith.addi %parallel_loop3A_24, %parallel_loop3A_141 : i32
      %parallel_loop3A_143 = arith.index_cast %parallel_loop3A_142 : i32 to index
      %parallel_loop3A_144 = tpu.vector_load %arg8[%parallel_loop3A_143] {strides = array<i32>} : memref<1088xf32, #tpu.memory_space<vmem>>, vector<16xf32>,
      %parallel_loop3A_145 = arith.addf %parallel_loop3A_140, %parallel_loop3A_144 : vector<16xf32>
      %parallel_loop3A_146 = arith.constant 1.500000e+01 : f32
      %parallel_loop3A_147 = vector.broadcast %parallel_loop3A_146 : f32 to vector<16xf32>
      %parallel_loop3A_148 = arith.cmpf oge, %parallel_loop3A_145, %parallel_loop3A_147 : vector<16xf32>
      %parallel_loop3A_149 = arith.select %parallel_loop3A_148, %broadcast_in_dim3A_14, %broadcast_in_dim3A_16 : vector<16xi1>, vector<16xi32>
      %parallel_loop3A_150 = arith.constant 64 : i32
      %parallel_loop3A_151 = vector.broadcast %parallel_loop3A_150 : i32 to vector<16xi32>
      %parallel_loop3A_152 = arith.muli %parallel_loop3A_149, %parallel_loop3A_151 : vector<16xi32>
      %parallel_loop3A_153 = arith.addi %parallel_loop3A_131, %parallel_loop3A_152 : vector<16xi32>
      %parallel_loop3A_154 = arith.constant 60 : i32
      %parallel_loop3A_155 = arith.addi %parallel_loop3A_24, %parallel_loop3A_154 : i32
      %parallel_loop3A_156 = arith.index_cast %parallel_loop3A_155 : i32 to index
      %parallel_loop3A_157 = tpu.vector_load %arg8[%parallel_loop3A_156] {strides = array<i32>} : memref<1088xf32, #tpu.memory_space<vmem>>, vector<16xf32>,
      %parallel_loop3A_158 = arith.constant 70 : i32
      %parallel_loop3A_159 = arith.addi %parallel_loop3A_24, %parallel_loop3A_158 : i32
      %parallel_loop3A_160 = arith.index_cast %parallel_loop3A_159 : i32 to index
      %parallel_loop3A_161 = tpu.vector_load %arg8[%parallel_loop3A_160] {strides = array<i32>} : memref<1088xf32, #tpu.memory_space<vmem>>, vector<16xf32>,
      %parallel_loop3A_162 = arith.addf %parallel_loop3A_157, %parallel_loop3A_161 : vector<16xf32>
      %parallel_loop3A_163 = arith.constant 80 : i32
      %parallel_loop3A_164 = arith.addi %parallel_loop3A_24, %parallel_loop3A_163 : i32
      %parallel_loop3A_165 = arith.index_cast %parallel_loop3A_164 : i32 to index
      %parallel_loop3A_166 = tpu.vector_load %arg8[%parallel_loop3A_165] {strides = array<i32>} : memref<1088xf32, #tpu.memory_space<vmem>>, vector<16xf32>,
      %parallel_loop3A_167 = arith.addf %parallel_loop3A_162, %parallel_loop3A_166 : vector<16xf32>
      %parallel_loop3A_168 = arith.constant 90 : i32
      %parallel_loop3A_169 = arith.addi %parallel_loop3A_24, %parallel_loop3A_168 : i32
      %parallel_loop3A_170 = arith.index_cast %parallel_loop3A_169 : i32 to index
      %parallel_loop3A_171 = tpu.vector_load %arg8[%parallel_loop3A_170] {strides = array<i32>} : memref<1088xf32, #tpu.memory_space<vmem>>, vector<16xf32>,
      %parallel_loop3A_172 = arith.addf %parallel_loop3A_167, %parallel_loop3A_171 : vector<16xf32>
      %parallel_loop3A_173 = arith.constant 2.000000e+01 : f32
      %parallel_loop3A_174 = vector.broadcast %parallel_loop3A_173 : f32 to vector<16xf32>
      %parallel_loop3A_175 = arith.cmpf oge, %parallel_loop3A_172, %parallel_loop3A_174 : vector<16xf32>
      %parallel_loop3A_176 = arith.select %parallel_loop3A_175, %broadcast_in_dim3A_14, %broadcast_in_dim3A_16 : vector<16xi1>, vector<16xi32>
      %parallel_loop3A_177 = arith.constant 128 : i32
      %parallel_loop3A_178 = vector.broadcast %parallel_loop3A_177 : i32 to vector<16xi32>
      %parallel_loop3A_179 = arith.muli %parallel_loop3A_176, %parallel_loop3A_178 : vector<16xi32>
      %parallel_loop3A_180 = arith.addi %parallel_loop3A_153, %parallel_loop3A_179 : vector<16xi32>
      %parallel_loop3A_181 = arith.index_cast %parallel_loop3A_24 : i32 to index
      %parallel_loop3A_182 = tpu.vector_load %arg9[%parallel_loop3A_181] {strides = array<i32>} : memref<976xi32, #tpu.memory_space<vmem>>, vector<16xi32>,
      tpu.vector_store %arg9[%parallel_loop3A_181], %parallel_loop3A_180 {strides = array<i32>} : memref<976xi32, #tpu.memory_space<vmem>>, vector<16xi32>,
    } {sc.loop_unroll_factor = 2 : i64, sc.parallel_access}
    %mul3A_20 = arith.constant 2048 : i32
    %mul3A_21 = arith.muli %arg1, %mul3A_20 : i32
    %add3A = arith.addi %mul3A_21, %mul3A_0 : i32
    "tpu.region"() ({
      %run_scoped3A = tpu.sem_alloc : memref<!tpu.dma_semaphore, #tpu.memory_space<semaphore_mem>>
      %dma_start3A = tpu.memref_slice %arg3[%add3A] : memref<32768xi32, #tpu.memory_space<hbm>> -> memref<976xi32, #tpu.memory_space<hbm>>
      %dma_start3A_22 = tpu.memref_slice %arg3[%add3A] : memref<32768xi32, #tpu.memory_space<hbm>> -> memref<976xi32, #tpu.memory_space<hbm>>
      tpu.enqueue_dma source(%arg9 : memref<976xi32, #tpu.memory_space<vmem>>) target(%dma_start3A_22 : memref<976xi32, #tpu.memory_space<hbm>>) target_semaphore(%run_scoped3A : memref<!tpu.dma_semaphore, #tpu.memory_space<semaphore_mem>>)
      %dma_wait3A = tpu.memref_slice %arg3[%add3A] : memref<32768xi32, #tpu.memory_space<hbm>> -> memref<976xi32, #tpu.memory_space<hbm>>
      %dma_wait3A_23 = tpu.memref_slice %arg3[%add3A] : memref<32768xi32, #tpu.memory_space<hbm>> -> memref<976xi32, #tpu.memory_space<hbm>>
      tpu.wait_dma2 semaphore(%run_scoped3A : memref<!tpu.dma_semaphore, #tpu.memory_space<semaphore_mem>>) src(%arg9 : memref<976xi32, #tpu.memory_space<vmem>>) dst(%dma_wait3A_23 : memref<976xi32, #tpu.memory_space<hbm>>)
      tpu.yield
    }) : () -> ()
    return
  }
}

</mosaic_0001>

<sc_bundles>
// kernel: kernel.3.cloned.1.call-start
scs
__scs_entry_jumppad:
0x0: {  	(pc) =	sbr.rel $0x88, $3  }
0x1: {  	(tag) =	ssettag $0x0;
	lr =	simm.s32 $0x1  }
0x2: {  	[smem:$0x3FA0] =	sst lr;
	_ =	strace $0xD0000000  }
0x3: {  	_ = 	snop  }
0x4: {  	_ = 	snop  }
0x5: {  	_ = 	snop  }
0x6: {  	_ = 	snop  }
0x7: {  	_ = 	snop  }
__scs_overlays_trampoline_lowered:
0x8: {  	[smem:$0x3FAF] =	sst s0  }
0x9: {  	[smem:$0x3FB0] =	sst s1  }
0xa: {  	[smem:$0x3FB1] =	sst s2  }
0xb: {  	[smem:$0x3FB2] =	sst s3  }
0xc: {  	[smem:$0x3FB3] =	sst s4  }
0xd: {  	[smem:$0x3FB4] =	sst s5  }
0xe: {  	[smem:$0x3FB5] =	sst s6  }
0xf: {  	[smem:$0x3FB6] =	sst s7  }
0x10: {  	[smem:$0x3FB7] =	sst s8  }
0x11: {  	[smem:$0x3FB8] =	sst s9;
	s0 =	simm.s32 @!p0 $0x0  }
0x12: {  	s1 =	sld [smem:$0x3F9E];
	s0 =	simm.s32 @p0 $0x1  }
0x13: {  	[smem:$0x3FB9] =	sst s0;
	s0 =	simm.s32 @!p1 $0x0  }
0x14: {  	s2 =	sld [smem:$0x3F9D];
	s0 =	simm.s32 @p1 $0x1  }
0x15: {  	[smem:$0x3FBA] =	sst s0;
	s0 =	simm.s32 @!p2 $0x0  }
0x16: {  	s3 =	sld [smem:$0x3FDB];
	s0 =	simm.s32 @p2 $0x1  }
0x17: {  	s4 =	simm.s32 $0x1BF5;
	[smem:$0x3FBC] =	sst s0  }
0x18: {  	s0 =	sld [smem:$0x3F9F];
	_ =	swait.ge [sflag:s4], $0x0  }
0x19: {  	s7 =	sld [smem:$0x3FA0]  }
0x1a: {  	s8 =	sadd.s32 $0xFFFFE003, lr  }
0x1b: {  	s9 =	sadd.s32 $0xFFFFFEF7, lr;
	s5 =	simm.s32 $0xFFFFFFFF;
	p2 =	slt.u32 s8, $0xFFFFF086  }
0x1c: {  	p1 =	slt.u32 s9, $0xF7A;
	s5 =	simm.s32 @!p2 $0x0  }
0x1d: {  	s5 =	simm.s32 @p1 $0x1;
	p0 =	seq.s32 s7, s2  }
0x1e: {  	s7 =	smul.u32 @!p0 $0xF7A, s2;
	p2 =	seq.s32 @!p0 s5, $0x0  }
0x1f: {  	s9 =	smul.u32 $0xF7A, s1;
	s8 =	simm.s32 @!p0 $0x1BF5;
	p2 =	por !p2, p0  }
0x20: {  	[sflag:s8] =	ssyncset.s32 @!p0 $0xFFFFF086;
	s6 =	sadd.s32 @!p0 s3, s7;
	s7 =	simm.s32 @!p0 $0x108  }
0x21: {  	s3 =	sadd.s32 s3, s9;
	s6 =	sadd.s32 @!p0 $0x88, s6;
	s7 =	simm.s32 @p2 $0x1082  }
0x22: {  	[simem:s7], [sflag:s8] =	dma.local @!p0 [hbm:s6], $0xF7A  }
0x23: {  	s9 =	sor.u32 $0xD0000000, s2;
	s6 =	simm.s32 $0x108;
	_ =	swait.ge @!p0 [sflag:s8], $0x0  }
0x24: {  	s3 =	sadd.s32 $0x88, s3;
	s6 =	simm.s32 @!p1 $0x1082;
	[sflag:s4] =	ssyncset.s32 $0xFFFFF086  }
0x25: {  	[simem:s6], [sflag:s4] =	dma.local [hbm:s3], $0xF7A  }
0x26: {  	[smem:$0x3FA0] =	sst s1;
	(tag) =	ssettag s2;
	_ =	strace s9  }
0x27: {  	s1 =	sld [smem:$0x3FB0]  }
0x28: {  	s2 =	sld [smem:$0x3FB1]  }
0x29: {  	s4 =	sld [smem:$0x3FB3]  }
0x2a: {  	p0 =	seq.s32 s5, $0x0;
	s5 =	sld [smem:$0x3FB4]  }
0x2b: {  	s6 =	sld [smem:$0x3FB5]  }
0x2c: {  	s7 =	sld [smem:$0x3FB6]  }
0x2d: {  	s3 =	simm.s32 $0x108;
	s8 =	sld [smem:$0x3FB7]  }
0x2e: {  	s3 =	simm.s32 @!p0 $0x1082;
	s9 =	sld [smem:$0x3FB8]  }
0x2f: {  	lr =	sadd.s32 s0, s3;
	s0 =	sld [smem:$0x3FAF]  }
0x30: {  	s3 =	sld [smem:$0x3FB2]  }
0x31: {  	[smem:$0x3FBB] =	sst s10  }
0x32: {  	s10 =	sld [smem:$0x3FB9];
	_ =	sdelay $0x3  }
0x33: {  	p0 =	seq.s32 s10, $0x1;
	s10 =	sld [smem:$0x3FBB];
	_ =	sdelay $0x3  }
0x34: {  	[smem:$0x3FBB] =	sst s10  }
0x35: {  	s10 =	sld [smem:$0x3FBA];
	_ =	sdelay $0x3  }
0x36: {  	p1 =	seq.s32 s10, $0x1;
	s10 =	sld [smem:$0x3FBB];
	_ =	sdelay $0x3  }
0x37: {  	[smem:$0x3FBB] =	sst s10  }
0x38: {  	s10 =	sld [smem:$0x3FBC]  }
0x39: {  	_ = 	snop;
	(pc) =	sbr.ind lr, $3  }
0x3a: {  	_ = 	snop  }
0x3b: {  	_ = 	snop  }
0x3c: {  	p2 =	seq.s32 s10, $0x1;
	s10 =	sld [smem:$0x3FBB]  }
0x3d: {  	_ =	shalt  }
0x3e: {  	_ =	shalt  }
0x3f: {  	_ =	shalt  }
0x40: {  	_ =	shalt  }
0x41: {  	_ =	shalt  }
0x42: {  	_ =	shalt  }
0x43: {  	_ =	shalt  }
0x44: {  	_ =	shalt  }
0x45: {  	_ =	shalt  }
0x46: {  	_ =	shalt  }
0x47: {  	_ =	shalt  }
0x48: {  	_ =	shalt  }
0x49: {  	_ =	shalt  }
0x4a: {  	_ =	shalt  }
0x4b: {  	_ =	shalt  }
0x4c: {  	_ =	shalt  }
0x4d: {  	_ =	shalt  }
0x4e: {  	_ =	shalt  }
0x4f: {  	_ =	shalt  }
0x50: {  	_ =	shalt  }
0x51: {  	_ =	shalt  }
0x52: {  	_ =	shalt  }
0x53: {  	_ =	shalt  }
0x54: {  	_ =	shalt  }
0x55: {  	_ =	shalt  }
0x56: {  	_ =	shalt  }
0x57: {  	_ =	shalt  }
0x58: {  	_ =	shalt  }
0x59: {  	_ =	shalt  }
0x5a: {  	_ =	shalt  }
0x5b: {  	_ =	shalt  }
0x5c: {  	_ =	shalt  }
0x5d: {  	_ =	shalt  }
0x5e: {  	_ =	shalt  }
0x5f: {  	_ =	shalt  }
0x60: {  	_ =	shalt  }
0x61: {  	_ =	shalt  }
0x62: {  	_ =	shalt  }
0x63: {  	_ =	shalt  }
0x64: {  	_ =	shalt  }
0x65: {  	_ =	shalt  }
0x66: {  	_ =	shalt  }
0x67: {  	_ =	shalt  }
0x68: {  	_ =	shalt  }
0x69: {  	_ =	shalt  }
0x6a: {  	_ =	shalt  }
0x6b: {  	_ =	shalt  }
0x6c: {  	_ =	shalt  }
0x6d: {  	_ =	shalt  }
0x6e: {  	_ =	shalt  }
0x6f: {  	_ =	shalt  }
0x70: {  	_ =	shalt  }
0x71: {  	_ =	shalt  }
0x72: {  	_ =	shalt  }
0x73: {  	_ =	shalt  }
0x74: {  	_ =	shalt  }
0x75: {  	_ =	shalt  }
0x76: {  	_ =	shalt  }
0x77: {  	_ =	shalt  }
0x78: {  	_ =	shalt  }
0x79: {  	_ =	shalt  }
0x7a: {  	_ =	shalt  }
0x7b: {  	_ =	shalt  }
0x7c: {  	_ =	shalt  }
0x7d: {  	_ =	shalt  }
0x7e: {  	_ =	shalt  }
0x7f: {  	_ =	shalt  }
0x80: {  	_ =	shalt  }
0x81: {  	_ =	shalt  }
0x82: {  	_ =	shalt  }
0x83: {  	_ =	shalt  }
0x84: {  	_ =	shalt  }
0x85: {  	_ =	shalt  }
0x86: {  	_ =	shalt  }
0x87: {  	_ =	shalt  }
.Lfunc_end0:
.L_simem_size_0:
called_computation_lowered:
.L_overlay_start_0:
0x88: {  	s2 =	sld [smem:$0x3FD9]  }
0x89: {  	s3 =	sld [smem:$0x3FFE];
	_ =	sdelay $0x1  }
0x8a: {  	s1 =	srdreg.scid  }
0x8b: {  	s0 =	sand.u32 $0x1, s1  }
0x8c: {  	s16 =	sshll.u32 s0, $0xA;
	s2 =	sadd.s32 s3, s2  }
0x8d: {  	s2 =	sadd.s32 s2, s16  }
0x8e: {  	[smem:$0x3FC7] =	sst s2  }
0x8f: {  	_ = 	snop  }
0x90: {  	(tm) =	ssettm $0x1  }
0x91: {  	s17 =	sld [smem:$0x3FFB];
	_ =	sdelay $0x3  }
0x92: {  	_ =	strace s17  }
0x93: {  	s2 =	sld [smem:$0x3FFC];
	_ =	sdelay $0x3  }
0x94: {  	_ =	strace s2  }
0x95: {  	s2 =	sld [smem:$0x3FFD];
	_ =	sdelay $0x3  }
0x96: {  	_ =	strace s2  }
0x97: {  	_ =	strace $0x8FFFFFFF  }
0x98: {  	s18 =	sld [smem:$0x3FDB];
	_ =	sdelay $0x1  }
0x99: {  	s19 =	simm.s32 $_scs_section_size  }
0x9a: {  	s4 =	simm.s32 $_size__tile_overlayer_lowered;
	s5 =	simm.s32 $_tile_overlayer_lowered  }
0x9b: {  	s22 =	simm.s32 $0x1BFF;
	s21 =	sshll.u32 s5, $0x1;
	s2 =	sadd.s32 s19, s18  }
0x9c: {  	s6 =	simm.s32 $0x0;
	s20 =	sshll.u32 s4, $0x1;
	s4 =	sadd.s32 s21, s2  }
0x9d: {  	[timem:s6], [sflag:s22] =	dma.local [hbm:s4], s20  }
0x9e: {  	_ =	swait.ge [sflag:s22], s20  }
0x9f: {  	s3 =	ssub.s32 $0x0, s20;
	[sflag:s22] =	ssyncset.done $0x0  }
0xa0: {  	[sflag:s22] =	ssyncadd.s32 s3;
	_ =	sdelay $0x1  }
0xa1: {  	s23 =	simm.s32 $0x1B8B  }
0xa2: {  	_ =	swait.ge [sflag:s23], $0x1  }
0xa3: {  	[sflag:s23] =	ssyncset.done $0x0  }
0xa4: {  	s25 =	simm.s32 $0x1B8E;
	s24 =	sld [smem:$0x3FFE];
	[sflag:s23] =	ssyncadd.s32 $0xFFFFFFFF  }
0xa5: {  	s26 =	simm.s32 $execute0_lowered;
	[smem:$0x3FD2] =	sst s25  }
0xa6: {  	s4 =	sshll.u32 s26, $0x1;
	_ =	strace $0x80000046;
	[dreg:$0x1] =	wrdreg $0xFFFFFFFF  }
0xa7: {  	s28 =	simm.s32 $_size_execute0_lowered;
	s2 =	sadd.s32 s2, s4;
	[dreg:$0x0] =	wrdreg $0x0  }
0xa8: {  	s4 =	sshll.u32 s28, $0x1;
	[dreg:$0x2] =	wrdreg s2  }
0xa9: {  	[dreg:$0x3] =	wrdreg s4  }
0xaa: {  	[dreg:$0x4] =	wrdreg $0xC0  }
0xab: {  	_ =	task [dreg:s6], $0x5FFFF  }
0xac: {  	[dreg:$0x1] =	wrdreg $0xFFFFFFFF  }
0xad: {  	[dreg:$0x0] =	wrdreg $0x60  }
0xae: {  	[dreg:$0x2] =	wrdreg s24  }
0xaf: {  	[dreg:$0x3] =	wrdreg $0x9  }
0xb0: {  	_ =	task.clear_ibuf [dreg:s6], $0x4FFFF;
	_ =	strace $0x90000046  }
0xb1: {  	s29 =	simm.s32 $0x9;
	_ =	strace $0x80000048  }
0xb2: {  	_ =	swait.ge [sflag:s29], $0x1  }
0xb3: {  	[sflag:s29] =	ssyncadd.s32 $0xFFFFFFFF  }
0xb4: {  	_ =	strace $0x90000048  }
0xb5: {  	_ =	sfence  }
0xb6: {  	s30 =	sld [smem:$0x0];
	_ =	sdelay $0x2  }
0xb7: {  	s31 =	sshll.u32 s1, $0xD;
	s1 =	sshrl.u32 s1, $0x2  }
0xb8: {  	s3 =	sand.u32 $0x4000, s31;
	s1 =	sadd.s32 s1, s30  }
0xb9: {  	s0 =	sor.u32 s3, s0;
	s1 =	sshll.u32 s1, $0x11  }
0xba: {  	s0 =	sor.u32 s1, s0  }
0xbb: {  	s0 =	sadd.s32 $0x8F2B, s0  }
0xbc: {  	[sflag:s0] =	ssyncadd.remote.s32 $0x1  }
0xbd: {  	_ =	sfence.sel $0xFFFF  }
0xbe: {  	[dreg:$0x0] =	wrdreg $0xFFFFFFFF;
	(pc) =	sbr.abs _section_cstart, $3  }
0xbf: {  	[dreg:$0x1] =	wrdreg $0xFFFFFFFF  }
0xc0: {  	_ =	task.clear_ibuf [dreg:s6], $0x2FFFF;
	_ =	strace $0x9FFFFFFF  }
0xc1: {  	(tm) =	ssettm $0x7FFFFFFF  }
tec
execute0_lowered:
.L_overlay_start_1:
0x0: {  	(tag) =	ssettag $0x1  }
0x1: {  	s3 =	rddreg [dreg:$0x0]  }
0x2: {  	s0 =	rddreg [dreg:$0x1];
	s2 =	simm.s32 $0x0;
	s1 =	srdreg.scid  }
0x3: {  	s9 =	simm.s32 $0x0;
	[smem:$0x7FF] =	sst s2;
	s4 =	sand.u32 $0x1, s1  }
0x4: {  	s1 =	stileid.u32;
	s6 =	smul.u32 $0x3D0, s4;
	_ =	strace $0x80000047  }
0x5: {  	s5 =	sshll.u32 s1, $0xB;
	s7 =	sshll.u32 s1, $0x9;
	s4 =	ssub.s32 $0x2, s4  }
0x6: {  	s7 =	sadd.s32 s7, s3;
	s8 =	sshrl.u32 s4, $0x1;
	s5 =	sor.u32 s6, s5  }
0x7: {  	s8 =	ssub.s32 s4, s8;
	s6 =	sadd.s32 $0x11, s6;
	s5 =	sshrl.u32 s5, $0x3  }
0x8: {  	s5 =	sadd.s32 s5, s3;
	s3 =	sadd.s32 $0x400, s7;
	s7 =	simm.s32 $0x1  }
0x9: {  	v0 =	vlaneseq.u32;
	v1 =	vimm.s32 $0x0;
	s4 =	sadd.s32 $0x2400, s5;
	s5 =	smax.u32 s8, $0x1;
	s8 =	simm.s32 $0x2200  }
.LBB2_1:
0xa: {  	s10 =	sadd.s32 $0xFFFFFFF0, s6  }
0xb: {  	v2 =	vadd.s32 s10, v0  }
0xc: {  	v3 =	vadd.s32 s6, v0;
	vm0 =	vlt.s32 v2, $0x7FF  }
0xd: {  	[tilespmem:s2], [sflag:$0x1] =	stream.linear.gather [hbm4b:s3+s2], $0x1000, $0x38;
	vm1 =	vlt.s32 v3, $0x7FF;
	v2 =	vnsel vm0, $0x7FF, v2;
	[tilespmem:$0x2600] =	vst v63  }
0xe: {  	s11 =	sadd.s32 $0x20, s6;
	v3 =	vnsel vm1, $0x7FF, v3;
	v2 =	vshll.u32 v2, $0x1  }
0xf: {  	s30 =	sadd.s32 $0xFFFFFFF0, s11;
	v3 =	vshll.u32 v3, $0x1  }
0x10: {  	_ =	swait.ge [sflag:s7], $0x1000;
	v4 =	vadd.s32 s30, v0  }
0x11: {  	v6 =	vadd.s32 s11, v0;
	[sflag:s7] =	ssyncset.done $0x0;
	vm0 =	vlt.s32 v4, $0x7FF  }
0x12: {  	vm1 =	vlt.s32 v6, $0x7FF;
	[sflag:s7] =	ssyncadd.s32 $0xFFFFF000;
	v5 =	vnsel vm0, $0x7FF, v4  }
0x13: {  	s12 =	sadd.s32 $0x20, s11;
	v4 =	vnsel vm1, $0x7FF, v6;
	v8 =	vshll.u32 v5, $0x1;
	v6 =	vld.idx.msk [tilespmem:v2+s2+$0x0], $0xffff  }
0x14: {  	s31 =	sadd.s32 $0xFFFFFFF0, s12;
	v9 =	vshll.u32 v4, $0x1;
	v7 =	vld.idx.msk [tilespmem:v3+s2+$0x0], $0xffff  }
0x15: {  	v11 =	vadd.s32 s12, v0;
	v10 =	vadd.s32 s31, v0  }
0x16: {  	s13 =	simm.s32 $0x1010;
	s15 =	simm.s32 $0x4;
	s14 =	simm.s32 $0x1010;
	vm0 =	vlt.s32 v10, $0x7FF;
	vm1 =	vlt.s32 v11, $0x7FF  }
.LBB2_2:
0x17: {  	s15 =	sadd.s32 $0x2, s15  }
0x18: {  	v10 =	vnsel vm0, $0x7FF, v10;
	v11 =	vnsel vm1, $0x7FF, v11;
	[tilespmem:s13+$0xFFFFFFF0] =	vst v6;
	v6 =	vld.idx.msk [tilespmem:v8+s2+$0x0], $0xffff;
	s14 =	sadd.s32 $0x20, s14;
	s10 =	simm.s32 $0x1490;
	p0 =	slt.u32 s15, $0x42  }
.Ltmp0:
0x19: {  	v8 =	vshll.u32 v10, $0x1;
	[tilespmem:s13+$0x0] =	vst v7;
	v7 =	vld.idx.msk [tilespmem:v9+s2+$0x0], $0xffff;
	v9 =	vshll.u32 v11, $0x1;
	s13 =	smov.u32 s14;
	(pc) =	sbr.rel @p0 .LBB2_2-.Ltmp0, $4  }
0x1a: {  	s12 =	sadd.s32 $0x20, s12  }
0x1b: {  	s16 =	sadd.s32 $0xFFFFFFF0, s12  }
0x1c: {  	v11 =	vadd.s32 s12, v0;
	v10 =	vadd.s32 s16, v0  }
0x1d: {  	vm1 =	vlt.s32 v11, $0x7FF;
	vm0 =	vlt.s32 v10, $0x7FF  }
0x1e: {  	v10 =	vnsel vm0, $0x7FF, v10  }
0x1f: {  	v11 =	vnsel vm1, $0x7FF, v11;
	v10 =	vshll.u32 v10, $0x1  }
0x20: {  	v11 =	vshll.u32 v11, $0x1;
	_ =	sdelay $0x1  }
0x21: {  	v8 =	vld.idx.msk [tilespmem:v8+s2+$0x0], $0xffff  }
0x22: {  	v9 =	vld.idx.msk [tilespmem:v9+s2+$0x0], $0xffff  }
0x23: {  	v10 =	vld.idx.msk [tilespmem:v10+s2+$0x0], $0xffff  }
0x24: {  	[tilespmem:s13+$0xFFFFFFF0] =	vst v6;
	v6 =	vld.idx.msk [tilespmem:v11+s2+$0x0], $0xffff  }
0x25: {  	s12 =	sadd.s32 $0x20, s14;
	[tilespmem:s13+$0x0] =	vst v7;
	v2 =	vor.u32 $0x1, v2  }
0x26: {  	v3 =	vor.u32 $0x1, v3;
	[tilespmem:s12+$0xFFFFFFF0] =	vst v8  }
0x27: {  	s30 =	sadd.s32 $0x20, s12;
	[tilespmem:s12+$0x0] =	vst v9  }
0x28: {  	[tilespmem:s30+$0xFFFFFFF0] =	vst v10  }
0x29: {  	s11 =	sadd.s32 $0x20, s11;
	v5 =	vshll.u32 v5, $0x1;
	[tilespmem:s30+$0x0] =	vst v6  }
0x2a: {  	s31 =	sadd.s32 $0xFFFFFFF0, s11;
	v6 =	vshll.u32 v4, $0x1;
	v4 =	vor.u32 $0x1, v5;
	v2 =	vld.idx.msk [tilespmem:v2+s2+$0x0], $0xffff  }
0x2b: {  	v7 =	vadd.s32 s31, v0;
	v8 =	vadd.s32 s11, v0;
	v5 =	vor.u32 $0x1, v6;
	v3 =	vld.idx.msk [tilespmem:v3+s2+$0x0], $0xffff  }
0x2c: {  	vm14 =	vlt.s32 v7, $0x7FF;
	vm15 =	vlt.s32 v8, $0x7FF  }
0x2d: {  	s13 =	simm.s32 $0x4;
	s12 =	simm.s32 $0x1490;
	v6 =	vnsel vm14, $0x7FF, v7;
	v7 =	vnsel vm15, $0x7FF, v8  }
.LBB2_4:
0x2e: {  	s13 =	sadd.s32 $0x2, s13  }
0x2f: {  	v6 =	vshll.u32 v6, $0x1;
	v7 =	vshll.u32 v7, $0x1;
	[tilespmem:s10+$0xFFFFFFF0] =	vst v2;
	v2 =	vld.idx.msk [tilespmem:v4+s2+$0x0], $0xffff;
	s12 =	sadd.s32 $0x20, s12;
	p0 =	slt.u32 s13, $0x42  }
.Ltmp1:
0x30: {  	s11 =	sadd.s32 $0x20, s11;
	v4 =	vor.u32 $0x1, v6;
	[tilespmem:s10+$0x0] =	vst v3;
	v3 =	vld.idx.msk [tilespmem:v5+s2+$0x0], $0xffff;
	v5 =	vor.u32 $0x1, v7;
	(pc) =	sbr.rel @p0 .LBB2_4-.Ltmp1, $4  }
0x31: {  	s14 =	sadd.s32 $0xFFFFFFF0, s11;
	s10 =	smov.u32 s12  }
0x32: {  	v7 =	vadd.s32 s11, v0;
	v6 =	vadd.s32 s14, v0  }
0x33: {  	vm1 =	vlt.s32 v7, $0x7FF;
	vm0 =	vlt.s32 v6, $0x7FF  }
0x34: {  	v7 =	vnsel vm1, $0x7FF, v7;
	v6 =	vnsel vm0, $0x7FF, v6  }
0x35: {  	v6 =	vshll.u32 v6, $0x1  }
0x36: {  	v7 =	vshll.u32 v7, $0x1;
	v6 =	vor.u32 $0x1, v6  }
0x37: {  	v7 =	vor.u32 $0x1, v7;
	_ =	sdelay $0x1  }
0x38: {  	v4 =	vld.idx.msk [tilespmem:v4+s2+$0x0], $0xffff  }
0x39: {  	v5 =	vld.idx.msk [tilespmem:v5+s2+$0x0], $0xffff  }
0x3a: {  	v6 =	vld.idx.msk [tilespmem:v6+s2+$0x0], $0xffff  }
0x3b: {  	[tilespmem:s10+$0xFFFFFFF0] =	vst v2;
	v2 =	vld.idx.msk [tilespmem:v7+s2+$0x0], $0xffff  }
0x3c: {  	s11 =	sadd.s32 $0x20, s12;
	[tilespmem:s10+$0x0] =	vst v3  }
0x3d: {  	[tilespmem:s11+$0xFFFFFFF0] =	vst v4  }
0x3e: {  	s29 =	sadd.s32 $0x20, s11;
	[tilespmem:s11+$0x0] =	vst v5  }
0x3f: {  	[tilespmem:s29+$0xFFFFFFF0] =	vst v6  }
0x40: {  	s30 =	simm.s32 $0x1010;
	[tilespmem:s29+$0x0] =	vst v2  }
0x41: {  	v2 =	vld [tilespmem:s30+$0x0]  }
0x42: {  	v3 =	vld [tilespmem:s30+$0x1]  }
0x43: {  	v4 =	vld [tilespmem:s30+$0xFFFFFFF1]  }
0x44: {  	v5 =	vld [tilespmem:s30+$0x2]  }
0x45: {  	v6 =	vld [tilespmem:s30+$0xFFFFFFF0]  }
0x46: {  	v7 =	vld [tilespmem:s30+$0x3]  }
0x47: {  	v8 =	vld [tilespmem:s30+$0xFFFFFFF2]  }
0x48: {  	v9 =	vld [tilespmem:s30+$0x4]  }
0x49: {  	v10 =	vld [tilespmem:s30+$0xFFFFFFF3]  }
0x4a: {  	v11 =	vld [tilespmem:s30+$0x5]  }
0x4b: {  	v12 =	vld [tilespmem:s30+$0xFFFFFFF4]  }
0x4c: {  	v13 =	vld [tilespmem:s30+$0x6]  }
0x4d: {  	v14 =	vld [tilespmem:s30+$0xFFFFFFF5]  }
0x4e: {  	v15 =	vld [tilespmem:s30+$0x7]  }
0x4f: {  	v16 =	vld [tilespmem:s30+$0xFFFFFFF6]  }
0x50: {  	v17 =	vld [tilespmem:s30+$0x8]  }
0x51: {  	v18 =	vld [tilespmem:s30+$0xFFFFFFF7]  }
0x52: {  	v19 =	vld [tilespmem:s30+$0x9]  }
0x53: {  	v20 =	vld [tilespmem:s30+$0xFFFFFFF8]  }
0x54: {  	s31 =	simm.s32 $0x1030;
	v21 =	vld [tilespmem:s30+$0xFFFFFFF9];
	v2 =	vadd.f32 v3, v2  }
0x55: {  	v3 =	vadd.f32 v4, v6;
	v4 =	vld [tilespmem:s31+$0x0]  }
0x56: {  	v6 =	vld [tilespmem:s31+$0x1];
	v2 =	vadd.f32 v5, v2  }
0x57: {  	v3 =	vadd.f32 v8, v3;
	v5 =	vld [tilespmem:s31+$0xFFFFFFF1]  }
0x58: {  	v8 =	vld [tilespmem:s31+$0x2];
	v2 =	vadd.f32 v7, v2  }
0x59: {  	v3 =	vadd.f32 v10, v3;
	v7 =	vld [tilespmem:s31+$0xFFFFFFF0]  }
0x5a: {  	v10 =	vld [tilespmem:s31+$0x3];
	v2 =	vadd.f32 v9, v2  }
0x5b: {  	v4 =	vadd.f32 v6, v4;
	v3 =	vadd.f32 v12, v3;
	v9 =	vld [tilespmem:s31+$0xFFFFFFF2]  }
0x5c: {  	v6 =	vld [tilespmem:s31+$0x4];
	v2 =	vadd.f32 v11, v2  }
0x5d: {  	v4 =	vadd.f32 v8, v4;
	v3 =	vadd.f32 v14, v3;
	v11 =	vld [tilespmem:s31+$0xFFFFFFF3]  }
0x5e: {  	v5 =	vadd.f32 v5, v7;
	v7 =	vld [tilespmem:s31+$0x5];
	v2 =	vadd.f32 v13, v2  }
0x5f: {  	v8 =	vld [tilespmem:s31+$0xFFFFFFF4];
	v4 =	vadd.f32 v10, v4;
	v3 =	vadd.f32 v16, v3  }
0x60: {  	v5 =	vadd.f32 v9, v5;
	v9 =	vld [tilespmem:s31+$0x6];
	v2 =	vadd.f32 v15, v2  }
0x61: {  	v10 =	vld [tilespmem:s31+$0xFFFFFFF5];
	v4 =	vadd.f32 v6, v4;
	v3 =	vadd.f32 v18, v3  }
0x62: {  	v5 =	vadd.f32 v11, v5;
	v11 =	vld [tilespmem:s31+$0x7];
	v6 =	vadd.f32 v17, v2  }
0x63: {  	v63 =	vld [tilespmem:s31+$0xFFFFFFF6];
	v3 =	vadd.f32 v20, v3;
	v4 =	vadd.f32 v7, v4  }
0x64: {  	v2 =	vld [tilespmem:s31+$0x8];
	v5 =	vadd.f32 v8, v5;
	v6 =	vadd.f32 v19, v6  }
0x65: {  	s10 =	simm.s32 $0x1910;
	v7 =	vadd.f32 v21, v3;
	v3 =	vld [tilespmem:s31+$0xFFFFFFF7];
	v8 =	vadd.f32 v9, v4  }
0x66: {  	v4 =	vld [tilespmem:s31+$0x9];
	v5 =	vadd.f32 v10, v5;
	[tilespmem:s10+$0x0] =	vst v6  }
0x67: {  	v6 =	vld [tilespmem:s31+$0xFFFFFFF8];
	[tilespmem:s10+$0xFFFFFFF0] =	vst v7;
	v7 =	vadd.f32 v11, v8  }
0x68: {  	s12 =	simm.s32 $0x1050;
	s11 =	simm.s32 $0x2;
	v8 =	vadd.f32 v63, v5;
	v5 =	vld [tilespmem:s31+$0xFFFFFFF9]  }
.LBB2_6:
0x69: {  	v9 =	vld [tilespmem:s12+$0x0];
	v2 =	vadd.f32 v2, v7  }
0x6a: {  	s11 =	sadd.s32 $0x2, s11;
	v7 =	vld [tilespmem:s12+$0x1];
	v3 =	vadd.f32 v3, v8  }
0x6b: {  	p0 =	slt.u32 s11, $0x40;
	v8 =	vld [tilespmem:s12+$0xFFFFFFF1];
	v2 =	vadd.f32 v4, v2  }
0x6c: {  	s10 =	sadd.s32 $0x20, s10;
	v4 =	vld [tilespmem:s12+$0x2];
	v3 =	vadd.f32 v6, v3  }
0x6d: {  	v6 =	vld [tilespmem:s12+$0xFFFFFFF0];
	[tilespmem:s10+$0x0] =	vst v2  }
0x6e: {  	v2 =	vld [tilespmem:s12+$0x3];
	v3 =	vadd.f32 v5, v3  }
0x6f: {  	v5 =	vld [tilespmem:s12+$0xFFFFFFF2];
	v7 =	vadd.f32 v7, v9  }
0x70: {  	v9 =	vld [tilespmem:s12+$0x4];
	[tilespmem:s10+$0xFFFFFFF0] =	vst v3  }
0x71: {  	v3 =	vld [tilespmem:s12+$0xFFFFFFF3];
	v4 =	vadd.f32 v4, v7  }
0x72: {  	v6 =	vadd.f32 v8, v6;
	v7 =	vld [tilespmem:s12+$0x5]  }
0x73: {  	v8 =	vld [tilespmem:s12+$0xFFFFFFF4];
	v2 =	vadd.f32 v2, v4  }
0x74: {  	v4 =	vadd.f32 v5, v6;
	v5 =	vld [tilespmem:s12+$0x6]  }
0x75: {  	v6 =	vld [tilespmem:s12+$0xFFFFFFF5];
	v2 =	vadd.f32 v9, v2  }
0x76: {  	v3 =	vadd.f32 v3, v4;
	v9 =	vld [tilespmem:s12+$0x7]  }
0x77: {  	v10 =	vld [tilespmem:s12+$0xFFFFFFF6];
	v4 =	vadd.f32 v7, v2  }
.Ltmp2:
0x78: {  	v7 =	vadd.f32 v8, v3;
	v2 =	vld [tilespmem:s12+$0x8];
	(pc) =	sbr.rel @p0 .LBB2_6-.Ltmp2, $4  }
0x79: {  	v3 =	vld [tilespmem:s12+$0xFFFFFFF7];
	v5 =	vadd.f32 v5, v4  }
0x7a: {  	v8 =	vadd.f32 v6, v7;
	v4 =	vld [tilespmem:s12+$0x9]  }
0x7b: {  	v6 =	vld [tilespmem:s12+$0xFFFFFFF8];
	v7 =	vadd.f32 v9, v5  }
0x7c: {  	v8 =	vadd.f32 v10, v8;
	v5 =	vld [tilespmem:s12+$0xFFFFFFF9];
	s12 =	sadd.s32 $0x20, s12  }
0x7d: {  	_ = 	snop  }
0x7e: {  	v3 =	vadd.f32 v3, v8  }
0x7f: {  	v2 =	vadd.f32 v2, v7  }
0x80: {  	v3 =	vadd.f32 v6, v3  }
0x81: {  	v2 =	vadd.f32 v4, v2  }
0x82: {  	s10 =	sadd.s32 $0x20, s10;
	v3 =	vadd.f32 v5, v3  }
0x83: {  	[tilespmem:s10+$0x0] =	vst v2  }
0x84: {  	[tilespmem:s10+$0xFFFFFFF0] =	vst v3  }
0x85: {  	v2 =	vld [tilespmem:$0x1420]  }
0x86: {  	v3 =	vld [tilespmem:$0x1421];
	_ =	sdelay $0x1  }
0x87: {  	v4 =	vld [tilespmem:$0x1422];
	_ =	sdelay $0x1  }
0x88: {  	v5 =	vld [tilespmem:$0x1423]  }
0x89: {  	v2 =	vadd.f32 v3, v2  }
0x8a: {  	v3 =	vld [tilespmem:$0x1424]  }
0x8b: {  	v2 =	vadd.f32 v4, v2  }
0x8c: {  	v4 =	vld [tilespmem:$0x1425]  }
0x8d: {  	v2 =	vadd.f32 v5, v2  }
0x8e: {  	v5 =	vld [tilespmem:$0x1426]  }
0x8f: {  	v2 =	vadd.f32 v3, v2  }
0x90: {  	v3 =	vld [tilespmem:$0x1427]  }
0x91: {  	v2 =	vadd.f32 v4, v2  }
0x92: {  	v4 =	vld [tilespmem:$0x1428]  }
0x93: {  	v2 =	vadd.f32 v5, v2  }
0x94: {  	v5 =	vld [tilespmem:$0x1429]  }
0x95: {  	v2 =	vadd.f32 v3, v2;
	_ =	sdelay $0x1  }
0x96: {  	v2 =	vadd.f32 v4, v2;
	_ =	sdelay $0x1  }
0x97: {  	v2 =	vadd.f32 v5, v2;
	_ =	sdelay $0x1  }
0x98: {  	s31 =	simm.s32 $0x1490;
	[tilespmem:$0x1D20] =	vst v2  }
0x99: {  	v2 =	vld [tilespmem:s31+$0x0]  }
0x9a: {  	v3 =	vld [tilespmem:s31+$0x1]  }
0x9b: {  	v4 =	vld [tilespmem:s31+$0xFFFFFFF1]  }
0x9c: {  	v5 =	vld [tilespmem:s31+$0x2]  }
0x9d: {  	v6 =	vld [tilespmem:s31+$0xFFFFFFF0]  }
0x9e: {  	v7 =	vld [tilespmem:s31+$0x3]  }
0x9f: {  	v8 =	vld [tilespmem:s31+$0xFFFFFFF2]  }
0xa0: {  	v9 =	vld [tilespmem:s31+$0x4]  }
0xa1: {  	v10 =	vld [tilespmem:s31+$0xFFFFFFF3]  }
0xa2: {  	v11 =	vld [tilespmem:s31+$0x5]  }
0xa3: {  	v12 =	vld [tilespmem:s31+$0xFFFFFFF4]  }
0xa4: {  	v13 =	vld [tilespmem:s31+$0x6]  }
0xa5: {  	v14 =	vld [tilespmem:s31+$0xFFFFFFF5]  }
0xa6: {  	v15 =	vld [tilespmem:s31+$0x7]  }
0xa7: {  	v16 =	vld [tilespmem:s31+$0xFFFFFFF6]  }
0xa8: {  	v17 =	vld [tilespmem:s31+$0x8]  }
0xa9: {  	v18 =	vld [tilespmem:s31+$0xFFFFFFF7]  }
0xaa: {  	v19 =	vld [tilespmem:s31+$0x9]  }
0xab: {  	v20 =	vld [tilespmem:s31+$0xFFFFFFF8]  }
0xac: {  	s12 =	simm.s32 $0x14B0;
	v21 =	vld [tilespmem:s31+$0xFFFFFFF9];
	v2 =	vadd.f32 v3, v2  }
0xad: {  	v3 =	vadd.f32 v4, v6;
	v4 =	vld [tilespmem:s12+$0x0]  }
0xae: {  	v6 =	vld [tilespmem:s12+$0x1];
	v2 =	vadd.f32 v5, v2  }
0xaf: {  	v3 =	vadd.f32 v8, v3;
	v5 =	vld [tilespmem:s12+$0xFFFFFFF1]  }
0xb0: {  	v8 =	vld [tilespmem:s12+$0x2];
	v2 =	vadd.f32 v7, v2  }
0xb1: {  	v3 =	vadd.f32 v10, v3;
	v7 =	vld [tilespmem:s12+$0xFFFFFFF0]  }
0xb2: {  	v10 =	vld [tilespmem:s12+$0x3];
	v2 =	vadd.f32 v9, v2  }
0xb3: {  	v4 =	vadd.f32 v6, v4;
	v3 =	vadd.f32 v12, v3;
	v9 =	vld [tilespmem:s12+$0xFFFFFFF2]  }
0xb4: {  	v6 =	vld [tilespmem:s12+$0x4];
	v2 =	vadd.f32 v11, v2  }
0xb5: {  	v4 =	vadd.f32 v8, v4;
	v3 =	vadd.f32 v14, v3;
	v11 =	vld [tilespmem:s12+$0xFFFFFFF3]  }
0xb6: {  	v5 =	vadd.f32 v5, v7;
	v7 =	vld [tilespmem:s12+$0x5];
	v2 =	vadd.f32 v13, v2  }
0xb7: {  	v8 =	vld [tilespmem:s12+$0xFFFFFFF4];
	v4 =	vadd.f32 v10, v4;
	v3 =	vadd.f32 v16, v3  }
0xb8: {  	v5 =	vadd.f32 v9, v5;
	v9 =	vld [tilespmem:s12+$0x6];
	v2 =	vadd.f32 v15, v2  }
0xb9: {  	v10 =	vld [tilespmem:s12+$0xFFFFFFF5];
	v4 =	vadd.f32 v6, v4;
	v3 =	vadd.f32 v18, v3  }
0xba: {  	v5 =	vadd.f32 v11, v5;
	v11 =	vld [tilespmem:s12+$0x7];
	v6 =	vadd.f32 v17, v2  }
0xbb: {  	v63 =	vld [tilespmem:s12+$0xFFFFFFF6];
	v3 =	vadd.f32 v20, v3;
	v4 =	vadd.f32 v7, v4  }
0xbc: {  	v2 =	vld [tilespmem:s12+$0x8];
	v5 =	vadd.f32 v8, v5;
	v6 =	vadd.f32 v19, v6  }
0xbd: {  	s10 =	simm.s32 $0x1D90;
	v7 =	vadd.f32 v21, v3;
	v3 =	vld [tilespmem:s12+$0xFFFFFFF7];
	v8 =	vadd.f32 v9, v4  }
0xbe: {  	v4 =	vld [tilespmem:s12+$0x9];
	v5 =	vadd.f32 v10, v5;
	[tilespmem:s10+$0x0] =	vst v6  }
0xbf: {  	v6 =	vld [tilespmem:s12+$0xFFFFFFF8];
	[tilespmem:s10+$0xFFFFFFF0] =	vst v7;
	v7 =	vadd.f32 v11, v8  }
0xc0: {  	s11 =	simm.s32 $0x2;
	v8 =	vadd.f32 v63, v5;
	v5 =	vld [tilespmem:s12+$0xFFFFFFF9];
	s12 =	simm.s32 $0x14D0  }
.LBB2_8:
0xc1: {  	v9 =	vld [tilespmem:s12+$0x0];
	v2 =	vadd.f32 v2, v7  }
0xc2: {  	s11 =	sadd.s32 $0x2, s11;
	v7 =	vld [tilespmem:s12+$0x1];
	v3 =	vadd.f32 v3, v8  }
0xc3: {  	p0 =	slt.u32 s11, $0x40;
	v8 =	vld [tilespmem:s12+$0xFFFFFFF1];
	v2 =	vadd.f32 v4, v2  }
0xc4: {  	s10 =	sadd.s32 $0x20, s10;
	v4 =	vld [tilespmem:s12+$0x2];
	v3 =	vadd.f32 v6, v3  }
0xc5: {  	v6 =	vld [tilespmem:s12+$0xFFFFFFF0];
	[tilespmem:s10+$0x0] =	vst v2  }
0xc6: {  	v2 =	vld [tilespmem:s12+$0x3];
	v3 =	vadd.f32 v5, v3  }
0xc7: {  	v5 =	vld [tilespmem:s12+$0xFFFFFFF2];
	v7 =	vadd.f32 v7, v9  }
0xc8: {  	v9 =	vld [tilespmem:s12+$0x4];
	[tilespmem:s10+$0xFFFFFFF0] =	vst v3  }
0xc9: {  	v3 =	vld [tilespmem:s12+$0xFFFFFFF3];
	v4 =	vadd.f32 v4, v7  }
0xca: {  	v6 =	vadd.f32 v8, v6;
	v7 =	vld [tilespmem:s12+$0x5]  }
0xcb: {  	v8 =	vld [tilespmem:s12+$0xFFFFFFF4];
	v2 =	vadd.f32 v2, v4  }
0xcc: {  	v4 =	vadd.f32 v5, v6;
	v5 =	vld [tilespmem:s12+$0x6]  }
0xcd: {  	v6 =	vld [tilespmem:s12+$0xFFFFFFF5];
	v2 =	vadd.f32 v9, v2  }
0xce: {  	v3 =	vadd.f32 v3, v4;
	v9 =	vld [tilespmem:s12+$0x7]  }
0xcf: {  	v10 =	vld [tilespmem:s12+$0xFFFFFFF6];
	v4 =	vadd.f32 v7, v2  }
.Ltmp3:
0xd0: {  	v7 =	vadd.f32 v8, v3;
	v2 =	vld [tilespmem:s12+$0x8];
	(pc) =	sbr.rel @p0 .LBB2_8-.Ltmp3, $4  }
0xd1: {  	v3 =	vld [tilespmem:s12+$0xFFFFFFF7];
	v5 =	vadd.f32 v5, v4  }
0xd2: {  	v8 =	vadd.f32 v6, v7;
	v4 =	vld [tilespmem:s12+$0x9]  }
0xd3: {  	v6 =	vld [tilespmem:s12+$0xFFFFFFF8];
	v7 =	vadd.f32 v9, v5  }
0xd4: {  	v8 =	vadd.f32 v10, v8;
	v5 =	vld [tilespmem:s12+$0xFFFFFFF9];
	s12 =	sadd.s32 $0x20, s12  }
0xd5: {  	_ = 	snop  }
0xd6: {  	v3 =	vadd.f32 v3, v8  }
0xd7: {  	v2 =	vadd.f32 v2, v7  }
0xd8: {  	v3 =	vadd.f32 v6, v3  }
0xd9: {  	v2 =	vadd.f32 v4, v2  }
0xda: {  	s10 =	sadd.s32 $0x20, s10;
	v3 =	vadd.f32 v5, v3  }
0xdb: {  	[tilespmem:s10+$0x0] =	vst v2  }
0xdc: {  	[tilespmem:s10+$0xFFFFFFF0] =	vst v3  }
0xdd: {  	v2 =	vld [tilespmem:$0x18A0]  }
0xde: {  	v3 =	vld [tilespmem:$0x18A1];
	_ =	sdelay $0x1  }
0xdf: {  	v4 =	vld [tilespmem:$0x18A2];
	_ =	sdelay $0x1  }
0xe0: {  	v5 =	vld [tilespmem:$0x18A3]  }
0xe1: {  	v2 =	vadd.f32 v3, v2  }
0xe2: {  	v3 =	vld [tilespmem:$0x18A4]  }
0xe3: {  	v2 =	vadd.f32 v4, v2  }
0xe4: {  	v4 =	vld [tilespmem:$0x18A5]  }
0xe5: {  	v2 =	vadd.f32 v5, v2  }
0xe6: {  	v5 =	vld [tilespmem:$0x18A6]  }
0xe7: {  	v2 =	vadd.f32 v3, v2  }
0xe8: {  	v3 =	vld [tilespmem:$0x18A7]  }
0xe9: {  	v2 =	vadd.f32 v4, v2  }
0xea: {  	v4 =	vld [tilespmem:$0x18A8]  }
0xeb: {  	v2 =	vadd.f32 v5, v2  }
0xec: {  	v5 =	vld [tilespmem:$0x18A9]  }
0xed: {  	v2 =	vadd.f32 v3, v2;
	_ =	sdelay $0x1  }
0xee: {  	v2 =	vadd.f32 v4, v2;
	_ =	sdelay $0x1  }
0xef: {  	v2 =	vadd.f32 v5, v2;
	_ =	sdelay $0x1  }
0xf0: {  	s13 =	simm.s32 $0x1DB8;
	[tilespmem:$0x21A0] =	vst v2  }
0xf1: {  	v2 =	vld [tilespmem:s13+$0xFFFFFFD8]  }
0xf2: {  	v3 =	vld [tilespmem:s13+$0xFFFFFFE2]  }
0xf3: {  	v4 =	vld [tilespmem:s13+$0xFFFFFFEC]  }
0xf4: {  	v5 =	vld [tilespmem:s13+$0xFFFFFFF6]  }
0xf5: {  	s10 =	simm.s32 $0x1938;
	v6 =	vld [tilespmem:s13+$0x0]  }
0xf6: {  	v7 =	vld [tilespmem:s10+$0xFFFFFFD8]  }
0xf7: {  	v8 =	vld [tilespmem:s13+$0x14]  }
0xf8: {  	v9 =	vld [tilespmem:s13+$0x1E]  }
0xf9: {  	v10 =	vld [tilespmem:s10+$0xFFFFFFE2]  }
0xfa: {  	v11 =	vld [tilespmem:s10+$0xFFFFFFEC]  }
0xfb: {  	v12 =	vld [tilespmem:s10+$0xFFFFFFF6]  }
0xfc: {  	v13 =	vld [tilespmem:s10+$0x14]  }
0xfd: {  	v14 =	vld [tilespmem:s10+$0x1E]  }
0xfe: {  	v15 =	vld [tilespmem:s10+$0x0]  }
0xff: {  	v16 =	vld [tilespmem:s10+$0x28]  }
0x100: {  	v17 =	vld [tilespmem:s10+$0xA]  }
0x101: {  	v18 =	vld [tilespmem:s10+$0x32]  }
0x102: {  	v19 =	vld [tilespmem:s13+$0x28]  }
0x103: {  	v20 =	vld [tilespmem:s10+$0x4]  }
0x104: {  	v53 =	vld [tilespmem:s10+$0xE]  }
0x105: {  	v61 =	vld [tilespmem:s10+$0xFFFFFFC8]  }
0x106: {  	v21 =	vld [tilespmem:s13+$0xA];
	v13 =	vadd.f32 v14, v13  }
0x107: {  	v22 =	vld [tilespmem:s13+$0x32];
	v3 =	vadd.f32 v4, v3;
	v4 =	vadd.f32 v15, v12  }
0x108: {  	v54 =	vld [tilespmem:s10+$0xFFFFFFE6];
	v5 =	vadd.f32 v6, v5;
	v6 =	vadd.f32 v11, v10  }
0x109: {  	v57 =	vld [tilespmem:s10+$0xFFFFFFFA];
	vm0 =	vge.f32 v7, $5.000000000e+00;
	v8 =	vadd.f32 v9, v8;
	vm8 =	vge.f32 v2, $5.000000000e+00  }
0x10a: {  	v10 =	vld [tilespmem:s10+$0xFFFFFFF0];
	v60 =	vadd.f32 v53, v20;
	vm14 =	vge.f32 v61, $5.000000000e+00;
	v9 =	vsel vm0, $0x1, v1  }
0x10b: {  	v59 =	vld [tilespmem:s13+$0x4];
	v14 =	vsel vm14, $0x1, v1;
	v7 =	vadd.f32 v16, v13;
	v4 =	vadd.f32 v17, v4  }
0x10c: {  	v11 =	vld [tilespmem:s10+$0xFFFFFFD2];
	vm6 =	vge.f32 v6, $1.000000000e+01;
	v8 =	vadd.f32 v19, v8;
	v5 =	vadd.f32 v21, v5  }
0x10d: {  	v6 =	vld [tilespmem:s10+$0xFFFFFFDC];
	vm9 =	vge.f32 v3, $1.000000000e+01;
	v55 =	vsel vm6, $0x2, v1;
	v7 =	vadd.f32 v18, v7  }
0x10e: {  	vm7 =	vge.f32 v4, $1.500000000e+01;
	v4 =	vld [tilespmem:s10+$0x18];
	v9 =	vor.u32 v9, v55;
	v3 =	vadd.f32 v22, v8  }
0x10f: {  	v62 =	vld [tilespmem:s13+$0xFFFFFFF0];
	vm10 =	vge.f32 v5, $1.500000000e+01;
	v56 =	vsel vm7, $0x4, v1;
	v5 =	vadd.f32 v10, v54  }
0x110: {  	v10 =	vsel vm10, $0x40, v1;
	vm1 =	vge.f32 v7, $2.000000000e+01;
	v2 =	vor.u32 v56, v9;
	v7 =	vld [tilespmem:s10+$0x22]  }
0x111: {  	v8 =	vld [tilespmem:s13+$0xE];
	v9 =	vsel vm8, $0x10, v1;
	vm11 =	vge.f32 v3, $2.000000000e+01;
	v58 =	vsel vm1, $0x8, v1  }
0x112: {  	v3 =	vld [tilespmem:s13+$0xFFFFFFDC];
	v6 =	vadd.f32 v6, v11;
	v5 =	vadd.f32 v57, v5;
	v2 =	vor.u32 v58, v2  }
0x113: {  	v11 =	vld [tilespmem:s13+$0xFFFFFFE6];
	v2 =	vor.u32 v9, v2;
	v9 =	vsel vm9, $0x20, v1;
	v4 =	vadd.f32 v4, v60  }
0x114: {  	vm12 =	vge.f32 v6, $1.000000000e+01;
	vm13 =	vge.f32 v5, $1.500000000e+01;
	v9 =	vor.u32 v9, v2;
	v2 =	vld [tilespmem:s13+$0xFFFFFFD2]  }
0x115: {  	v6 =	vor.u32 v10, v9;
	v9 =	vsel vm11, $0x80, v1;
	v7 =	vadd.f32 v7, v4;
	v4 =	vld [tilespmem:s13+$0x18]  }
0x116: {  	v5 =	vld [tilespmem:s13+$0xFFFFFFC8];
	v63 =	vsel vm13, $0x4, v1;
	v10 =	vsel vm12, $0x2, v1;
	v9 =	vadd.s32 v9, v6  }
0x117: {  	s11 =	simm.s32 $0x2210;
	v6 =	vadd.f32 v8, v59;
	v8 =	vor.u32 v14, v10;
	vm15 =	vge.f32 v7, $2.000000000e+01;
	v7 =	vld [tilespmem:s13+$0xFFFFFFFA]  }
0x118: {  	s12 =	simm.s32 $0x0;
	[tilespmem:s11+$0x0] =	vst v9;
	v9 =	vadd.f32 v62, v11;
	v11 =	vor.u32 v63, v8;
	v8 =	vld [tilespmem:s13+$0x22];
	s13 =	simm.s32 $0x1DD8;
	v10 =	vsel vm15, $0x8, v1  }
.LBB2_10:
0x119: {  	v12 =	vld [tilespmem:s13+$0xFFFFFFD8];
	v10 =	vor.u32 v10, v11;
	v2 =	vadd.f32 v3, v2  }
0x11a: {  	v3 =	vld [tilespmem:s13+$0xFFFFFFE2];
	v4 =	vadd.f32 v4, v6  }
0x11b: {  	v6 =	vld [tilespmem:s13+$0xFFFFFFEC];
	vm0 =	vge.f32 v5, $5.000000000e+00;
	vm1 =	vge.f32 v2, $1.000000000e+01  }
0x11c: {  	v2 =	vld [tilespmem:s13+$0xFFFFFFF6];
	v5 =	vsel vm0, $0x10, v1;
	v11 =	vsel vm1, $0x20, v1;
	v7 =	vadd.f32 v7, v9  }
0x11d: {  	s10 =	sadd.s32 $0x20, s10;
	v9 =	vld [tilespmem:s13+$0x0];
	v5 =	vor.u32 v5, v10;
	v4 =	vadd.f32 v8, v4  }
0x11e: {  	v8 =	vld [tilespmem:s10+$0xFFFFFFD8];
	v5 =	vor.u32 v11, v5;
	vm0 =	vge.f32 v7, $1.500000000e+01  }
0x11f: {  	v7 =	vld [tilespmem:s13+$0x14];
	v10 =	vsel vm0, $0x40, v1;
	vm0 =	vge.f32 v4, $2.000000000e+01  }
0x120: {  	v4 =	vld [tilespmem:s13+$0x1E];
	v5 =	vor.u32 v10, v5;
	v10 =	vsel vm0, $0x80, v1  }
0x121: {  	v11 =	vld [tilespmem:s10+$0xFFFFFFE2];
	v5 =	vadd.s32 v10, v5  }
0x122: {  	v10 =	vld [tilespmem:s10+$0xFFFFFFEC];
	[tilespmem:s11+$0xFFFFFFF0] =	vst v5  }
0x123: {  	v5 =	vld [tilespmem:s10+$0xFFFFFFF6]  }
0x124: {  	v13 =	vld [tilespmem:s10+$0x14]  }
0x125: {  	s12 =	sadd.s32 $0x2, s12;
	v14 =	vld [tilespmem:s10+$0x1E]  }
0x126: {  	p0 =	slt.u32 s12, $0x3A;
	v15 =	vld [tilespmem:s10+$0x0]  }
0x127: {  	v16 =	vld [tilespmem:s10+$0x28]  }
0x128: {  	v17 =	vld [tilespmem:s10+$0xA]  }
0x129: {  	v18 =	vld [tilespmem:s10+$0x32]  }
0x12a: {  	v3 =	vadd.f32 v6, v3;
	v13 =	vadd.f32 v14, v13;
	v6 =	vld [tilespmem:s13+$0x28]  }
0x12b: {  	vm0 =	vge.f32 v12, $5.000000000e+00;
	v2 =	vadd.f32 v9, v2;
	v14 =	vld [tilespmem:s10+$0x4];
	v5 =	vadd.f32 v15, v5  }
0x12c: {  	vm1 =	vge.f32 v8, $5.000000000e+00;
	v8 =	vadd.f32 v10, v11;
	v9 =	vadd.f32 v16, v13;
	v10 =	vld [tilespmem:s13+$0xA]  }
0x12d: {  	v4 =	vadd.f32 v4, v7;
	v11 =	vsel vm0, $0x10, v1;
	v5 =	vadd.f32 v17, v5;
	v7 =	vld [tilespmem:s13+$0x32]  }
0x12e: {  	vm0 =	vge.f32 v8, $1.000000000e+01;
	v13 =	vsel vm1, $0x1, v1;
	v12 =	vld [tilespmem:s10+$0xE];
	v8 =	vadd.f32 v18, v9  }
0x12f: {  	v15 =	vsel vm0, $0x2, v1;
	v9 =	vld [tilespmem:s10+$0xFFFFFFE6];
	vm0 =	vge.f32 v5, $1.500000000e+01;
	v4 =	vadd.f32 v6, v4  }
0x130: {  	v6 =	vor.u32 v13, v15;
	v5 =	vld [tilespmem:s10+$0xFFFFFFF0];
	v13 =	vsel vm0, $0x4, v1;
	vm0 =	vge.f32 v8, $2.000000000e+01  }
0x131: {  	v8 =	vld [tilespmem:s10+$0xFFFFFFD2];
	v6 =	vor.u32 v13, v6;
	v13 =	vsel vm0, $0x8, v1;
	v2 =	vadd.f32 v10, v2  }
0x132: {  	vm0 =	vge.f32 v3, $1.000000000e+01;
	v10 =	vld [tilespmem:s10+$0xFFFFFFDC];
	v6 =	vor.u32 v13, v6;
	v3 =	vadd.f32 v7, v4  }
0x133: {  	v7 =	vsel vm0, $0x20, v1;
	v4 =	vld [tilespmem:s10+$0x18];
	v6 =	vor.u32 v11, v6;
	vm0 =	vge.f32 v2, $1.500000000e+01  }
0x134: {  	v2 =	vld [tilespmem:s10+$0xFFFFFFFA];
	v6 =	vor.u32 v7, v6;
	v7 =	vsel vm0, $0x40, v1;
	vm0 =	vge.f32 v3, $2.000000000e+01  }
0x135: {  	v3 =	vadd.f32 v12, v14;
	v11 =	vld [tilespmem:s10+$0x22];
	v6 =	vor.u32 v7, v6;
	v7 =	vsel vm0, $0x80, v1  }
0x136: {  	s11 =	sadd.s32 $0x20, s11;
	v5 =	vadd.f32 v5, v9;
	v9 =	vld [tilespmem:s13+$0x4];
	v6 =	vadd.s32 v7, v6  }
0x137: {  	v7 =	vadd.f32 v10, v8;
	v8 =	vld [tilespmem:s13+$0xE];
	[tilespmem:s11+$0x0] =	vst v6  }
0x138: {  	v10 =	vld [tilespmem:s10+$0xFFFFFFC8];
	v3 =	vadd.f32 v4, v3  }
0x139: {  	vm0 =	vge.f32 v7, $1.000000000e+01;
	v2 =	vadd.f32 v2, v5;
	v7 =	vld [tilespmem:s13+$0xFFFFFFE6]  }
0x13a: {  	v12 =	vsel vm0, $0x2, v1;
	v3 =	vadd.f32 v11, v3;
	v11 =	vld [tilespmem:s13+$0xFFFFFFF0]  }
0x13b: {  	vm0 =	vge.f32 v2, $1.500000000e+01;
	v2 =	vld [tilespmem:s13+$0xFFFFFFD2]  }
.Ltmp4:
0x13c: {  	v13 =	vsel vm0, $0x4, v1;
	vm0 =	vge.f32 v3, $2.000000000e+01;
	v3 =	vld [tilespmem:s13+$0xFFFFFFDC];
	v6 =	vadd.f32 v8, v9;
	(pc) =	sbr.rel @p0 .LBB2_10-.Ltmp4, $4  }
0x13d: {  	vm1 =	vge.f32 v10, $5.000000000e+00;
	v10 =	vsel vm0, $0x8, v1;
	v4 =	vld [tilespmem:s13+$0x18]  }
0x13e: {  	v8 =	vsel vm1, $0x1, v1;
	v5 =	vld [tilespmem:s13+$0xFFFFFFC8]  }
0x13f: {  	v8 =	vor.u32 v8, v12;
	v9 =	vadd.f32 v11, v7;
	v7 =	vld [tilespmem:s13+$0xFFFFFFFA]  }
0x140: {  	v11 =	vor.u32 v13, v8;
	v8 =	vld [tilespmem:s13+$0x22];
	s13 =	sadd.s32 $0x20, s13  }
0x141: {  	_ =	sdelay $0x1  }
0x142: {  	v2 =	vadd.f32 v3, v2;
	v3 =	vadd.f32 v4, v6  }
0x143: {  	v39 =	vor.u32 v10, v11;
	vm0 =	vge.f32 v5, $5.000000000e+00;
	v40 =	vadd.f32 v7, v9  }
0x144: {  	vm1 =	vge.f32 v2, $1.000000000e+01;
	v2 =	vsel vm0, $0x10, v1;
	v3 =	vadd.f32 v8, v3  }
0x145: {  	v41 =	vsel vm1, $0x20, v1;
	v2 =	vor.u32 v2, v39;
	vm6 =	vge.f32 v40, $1.500000000e+01  }
0x146: {  	v2 =	vor.u32 v41, v2;
	v42 =	vsel vm6, $0x40, v1;
	vm7 =	vge.f32 v3, $2.000000000e+01  }
0x147: {  	v2 =	vor.u32 v42, v2;
	v3 =	vsel vm7, $0x80, v1  }
0x148: {  	v2 =	vadd.s32 v3, v2  }
0x149: {  	[tilespmem:s11+$0xFFFFFFF0] =	vst v2  }
0x14a: {  	v2 =	vld [tilespmem:$0x1CC0]  }
0x14b: {  	v3 =	vld [tilespmem:$0x1CCA]  }
0x14c: {  	v43 =	vld [tilespmem:$0x1CD4]  }
0x14d: {  	v44 =	vld [tilespmem:$0x1CDE]  }
0x14e: {  	v45 =	vld [tilespmem:$0x1CE8]  }
0x14f: {  	v46 =	vld [tilespmem:$0x1CF2]  }
0x150: {  	v47 =	vld [tilespmem:$0x1CFC]  }
0x151: {  	v48 =	vld [tilespmem:$0x1D06]  }
0x152: {  	v49 =	vld [tilespmem:$0x1D10]  }
0x153: {  	v12 =	vld [tilespmem:$0x2140]  }
0x154: {  	v13 =	vld [tilespmem:$0x214A]  }
0x155: {  	v15 =	vld [tilespmem:$0x215E]  }
0x156: {  	v16 =	vld [tilespmem:$0x217C]  }
0x157: {  	v52 =	vld [tilespmem:$0x2186]  }
0x158: {  	v53 =	vld [tilespmem:$0x2168]  }
0x159: {  	v14 =	vld [tilespmem:$0x2154]  }
0x15a: {  	v50 =	vld [tilespmem:$0x1D1A]  }
0x15b: {  	v55 =	vld [tilespmem:$0x2190];
	v51 =	vadd.f32 v48, v47;
	v3 =	vadd.f32 v43, v3  }
0x15c: {  	v5 =	vadd.f32 v45, v44;
	vm8 =	vge.f32 v2, $5.000000000e+00;
	v58 =	vadd.f32 v52, v16  }
0x15d: {  	v4 =	vadd.f32 v53, v15;
	v54 =	vadd.f32 v49, v51;
	vm9 =	vge.f32 v3, $1.000000000e+01;
	v3 =	vld [tilespmem:$0x2172]  }
0x15e: {  	v57 =	vld [tilespmem:$0x219A];
	v60 =	vadd.f32 v14, v13;
	vm12 =	vge.f32 v12, $5.000000000e+00;
	v2 =	vadd.f32 v46, v5  }
0x15f: {  	v56 =	vsel vm8, $0x1, v1;
	v61 =	vsel vm12, $0x10, v1;
	v5 =	vadd.f32 v50, v54  }
0x160: {  	v6 =	vadd.f32 v55, v58;
	vm10 =	vge.f32 v2, $1.500000000e+01;
	v2 =	vsel vm9, $0x2, v1  }
0x161: {  	v2 =	vor.u32 v56, v2;
	v59 =	vsel vm10, $0x4, v1;
	vm11 =	vge.f32 v5, $2.000000000e+01  }
0x162: {  	v2 =	vor.u32 v59, v2;
	v5 =	vsel vm11, $0x8, v1;
	v3 =	vadd.f32 v3, v4  }
0x163: {  	vm13 =	vge.f32 v60, $1.000000000e+01;
	v62 =	vadd.f32 v57, v6;
	v2 =	vor.u32 v5, v2  }
0x164: {  	v63 =	vsel vm13, $0x20, v1;
	v2 =	vor.u32 v61, v2;
	vm14 =	vge.f32 v3, $1.500000000e+01  }
0x165: {  	vm15 =	vge.f32 v62, $2.000000000e+01;
	v2 =	vor.u32 v63, v2;
	v3 =	vsel vm14, $0x40, v1  }
0x166: {  	s9 =	sadd.s32 $0x1, s9;
	v2 =	vor.u32 v3, v2;
	v3 =	vsel vm15, $0x80, v1  }
0x167: {  	p0 =	sne.s32 s9, s5;
	v2 =	vadd.s32 v3, v2  }
.Ltmp5:
0x168: {  	[tilespmem:$0x25C0] =	vst v2;
	(pc) =	sbr.rel @p0 .LBB2_1-.Ltmp5, $4  }
0x169: {  	[hbm4b:s4+s2] =	stream.linear.scatter [tilespmem:s8], [sflag:$0x1], $0x3D0, $0x38;
	[tilespmem:$0x2600] =	vst v63  }
0x16a: {  	_ =	swait.ge [sflag:s7], $0x3D0  }
0x16b: {  	[sflag:s7] =	ssyncset.done $0x0  }
0x16c: {  	[sflag:s7] =	ssyncadd.s32 $0xFFFFFC30  }
0x16d: {  	_ =	sfence.sel $0x180000  }
0x16e: {  	[bflag:$0x0] =	sbarrier.arrive $0xFFFF  }
0x16f: {  	p0 =	sne.s32 s1, $0x0;
	_ =	strace $0x90000047  }
0x170: {  	s0 =	sadd.s32 @!p0 $0x100000, s0;
	[bflag:$0x2] =	sbarrier.arrive $0xFFFF  }
0x171: {  	[sflag:s0] =	ssyncadd.tile.s32 @!p0 $0x1;
	_ =	shalt  }
.Lfunc_end2:
_tile_overlayer_lowered:
.L_overlay_start_2:
0x172: {  	(tag) =	ssettag $0x2  }
0x173: {  	s0 =	rddreg [dreg:$0x0];
	s2 =	stileid.u32  }
0x174: {  	s1 =	rddreg [dreg:$0x1];
	p0 =	sne.s32 s2, $0x0  }
0x175: {  	s3 =	rddreg [dreg:$0x2];
	[bflag:$0x3] =	sbarrier.arrive $0xFFFF;
	s2 =	simm.s32 @!p0 $0x1C01  }
0x176: {  	[timem:s3], [sflag:s2] =	dma.local @!p0 [hbm:s0], s1  }
0x177: {  	s0 =	simm.s32 @!p0 $0x1  }
0x178: {  	_ =	swait.ge @!p0 [sflag:s0], s1  }
0x179: {  	s1 =	ssub.s32 @!p0 $0x0, s1;
	[sflag:s0] =	ssyncset.done @!p0 $0x0  }
0x17a: {  	[sflag:s0] =	ssyncadd.s32 @!p0 s1  }
0x17b: {  	[bflag:$0x3] =	sbarrier.arrive $0xFFFF  }
0x17c: {  	_ =	shalt  }

</sc_bundles>
